<compile_context>
chip_gen: v7x
topology: tpu7x:2x2x1
jax: 0.10.2.dev20260603
libtpu: 0.0.44.dev20260713+nightly
codegen_flags: <defaults>
</compile_context>

<pallas_src>
import functools

import jax
import jax.numpy as jnp
from jax import lax
from jax.experimental import pallas as pl
from jax.experimental.pallas import tpu as pltpu
from jax.experimental.pallas import tpu_sc as plsc

_NC = 2
_NS = 16
_NW = _NC * _NS
_C = 100
_K = 4
_NZ = 5


def _sc_mesh():
    return plsc.VectorSubcoreMesh(
        core_axis_name="c", subcore_axis_name="s",
        num_cores=_NC, num_subcores=_NS)


_SC_PARAMS = pltpu.CompilerParams(use_tc_tiling_on_sc=False)


def _make_deg(n_nodes, n_chunks):
    cpt = n_chunks // _NW
    zblk = n_nodes // _NZ

    @functools.partial(
        pl.kernel,
        out_type=jax.ShapeDtypeStruct((_NC, n_nodes), jnp.float32),
        mesh=_sc_mesh(),
        scratch_types=[
            pltpu.VMEM((cpt, _C), jnp.int32),
            pltpu.VMEM((-(-_C // 16) * 16,), jnp.float32),
            pltpu.VMEM_SHARED((n_nodes,), jnp.float32),
            pltpu.SemaphoreType.DMA,
        ],
        compiler_params=_SC_PARAMS,
    )
    def deg_kernel(dst_hbm, zeros_hbm, out_hbm, dst_v, ones_v, deg_sh, sem):
        c = lax.axis_index("c")
        s = lax.axis_index("s")
        w = s * _NC + c
        for i in range(-(-_C // 16)):
            ones_v[pl.ds(i * 16, 16)] = jnp.ones((16,), jnp.float32)
        pltpu.sync_copy(dst_hbm.at[pl.ds(w * cpt, cpt)], dst_v)

        @pl.when(s < _NZ)
        def _zero():
            pltpu.sync_copy(zeros_hbm, deg_sh.at[pl.ds(s * zblk, zblk)])

        plsc.subcore_barrier()

        def body(j, carry):
            pltpu.sync_copy(ones_v.at[pl.ds(0, _C)], deg_sh.at[dst_v.at[j]],
                            add=True)
            return carry

        lax.fori_loop(0, cpt, body, 0)
        plsc.subcore_barrier()

        @pl.when(s < _NZ)
        def _emit():
            pltpu.sync_copy(deg_sh.at[pl.ds(s * zblk, zblk)],
                            out_hbm.at[c, pl.ds(s * zblk, zblk)])

    return deg_kernel


def _make_agg(n_nodes, n_chunks, d):
    cpt = n_chunks // _NW
    rpt = n_nodes // _NS

    @functools.partial(
        pl.kernel,
        out_type=jax.ShapeDtypeStruct((_NC, n_nodes, d), jnp.bfloat16),
        mesh=_sc_mesh(),
        scratch_types=[
            pltpu.VMEM_SHARED((n_nodes, d), jnp.bfloat16),
            pltpu.VMEM((cpt, _C), jnp.int32),
            pltpu.VMEM((cpt, _C), jnp.int32),
            [pltpu.VMEM((_C, d), jnp.bfloat16) for _ in range(_K)],
            pltpu.SemaphoreType.DMA((_K,)),
            pltpu.SemaphoreType.DMA((_K,)),
        ],
        compiler_params=_SC_PARAMS,
    )
    def agg_kernel(x_hbm, src_hbm, dst_hbm, zeros_hbm, out_hbm,
                   acc_sh, src_v, dst_v, rows, gsem, ssem):
        c = lax.axis_index("c")
        s = lax.axis_index("s")
        w = s * _NC + c
        pltpu.sync_copy(src_hbm.at[pl.ds(w * cpt, cpt)], src_v)
        pltpu.sync_copy(dst_hbm.at[pl.ds(w * cpt, cpt)], dst_v)
        pltpu.sync_copy(zeros_hbm, acc_sh.at[pl.ds(s * rpt, rpt)])
        plsc.subcore_barrier()

        for b in range(_K):
            pltpu.async_copy(x_hbm.at[src_v.at[b]], rows[b], gsem.at[b])

        def round_body(r, carry):
            for b in range(_K):
                j = r * _K + b
                b2 = (b + 2) % _K
                pltpu.make_async_copy(x_hbm.at[src_v.at[j]], rows[b],
                                      gsem.at[b]).wait()
                pltpu.async_copy(rows[b], acc_sh.at[dst_v.at[j]], ssem.at[b],
                                 add=True)

                @pl.when(jnp.logical_and(j >= 2, j + _K - 2 < cpt))
                def _refill():
                    pltpu.make_async_copy(rows[b2], acc_sh.at[dst_v.at[j - 2]],
                                          ssem.at[b2]).wait()
                    pltpu.async_copy(x_hbm.at[src_v.at[j + _K - 2]], rows[b2],
                                    gsem.at[b2])
            return carry

        lax.fori_loop(0, cpt // _K, round_body, 0)
        for b in range(_K):
            pltpu.make_async_copy(rows[b], acc_sh.at[dst_v.at[cpt - _K + b]],
                                  ssem.at[b]).wait()
        plsc.subcore_barrier()
        pltpu.sync_copy(acc_sh.at[pl.ds(s * rpt, rpt)],
                        out_hbm.at[c, pl.ds(s * rpt, rpt)])

    return agg_kernel


def _normb_from_deg(deg_ref, d):
    dsum = deg_ref[0:1, :] + deg_ref[1:2, :]
    norm = jnp.where(dsum > 0, lax.rsqrt(jnp.maximum(dsum, 1.0)), 0.0)
    ones = jnp.ones((1, d), jnp.float32)
    return lax.dot_general(norm, ones, (((0,), (0,)), ((), ())),
                           preferred_element_type=jnp.float32)


def _scale_kernel(deg_ref, x_ref, o_ref):
    normb = _normb_from_deg(deg_ref, x_ref.shape[1])
    o_ref[...] = (x_ref[...] * normb).astype(jnp.bfloat16)


def _layer1_kernel(deg_ref, p_ref, w_ref, b_ref, o_ref):
    normb = _normb_from_deg(deg_ref, p_ref.shape[2])
    agg = (p_ref[0].astype(jnp.float32) + p_ref[1].astype(jnp.float32)) * normb
    h = jnp.dot(agg, w_ref[...], preferred_element_type=jnp.float32) + b_ref[...]
    o_ref[...] = (jnp.maximum(h, 0.0) * normb).astype(jnp.bfloat16)


def _layer2_kernel(deg_ref, p_ref, w2_ref, b2_ref, w3_ref, b3_ref,
                   o_ref, acc_ref, *, nblocks, n_nodes, blk):
    i = pl.program_id(0)
    normb = _normb_from_deg(deg_ref, p_ref.shape[2])
    agg = (p_ref[0].astype(jnp.float32) + p_ref[1].astype(jnp.float32)) * normb
    h = jnp.dot(agg, w2_ref[...], preferred_element_type=jnp.float32) + b2_ref[...]
    h = jnp.maximum(h, 0.0)
    row = lax.broadcasted_iota(jnp.int32, h.shape, 0) + i * blk
    h = jnp.where(row < n_nodes, h, 0.0)
    csum = jnp.sum(h, axis=0, keepdims=True)

    @pl.when(i == 0)
    def _init():
        acc_ref[...] = jnp.zeros_like(acc_ref)

    acc_ref[...] += csum

    @pl.when(i == nblocks - 1)
    def _final():
        hg = acc_ref[...] * (1.0 / n_nodes)
        o_ref[...] = (jnp.dot(hg, w3_ref[...], preferred_element_type=jnp.float32)
                      + b3_ref[...])


def kernel(x, edge_index, W1, b1, W2, b2, W3, b3):
    n, din = x.shape
    e = edge_index.shape[1]
    hid = W1.shape[1]
    out2 = W2.shape[1]
    ncls = W3.shape[1]
    BLK = 2048
    npad = -(-n // BLK) * BLK

    cpt = -(-(e // _C) // (_NW * _K)) * _K
    nch = cpt * _NW
    epad = nch * _C - e
    src2d = jnp.pad(edge_index[0], (0, epad)).reshape(nch, _C)
    pad_dst = n + jnp.arange(epad, dtype=jnp.int32) % (npad - n)
    dst2d = jnp.concatenate([edge_index[1], pad_dst]).reshape(nch, _C)
    zeros1 = jnp.zeros((npad // _NZ,), jnp.float32)
    zerosf = jnp.zeros((npad // _NS, din), jnp.bfloat16)
    xp = jnp.pad(x, ((0, npad - n), (0, 0)))

    deg = _make_deg(npad, nch)(dst2d, zeros1)

    gridn = npad // BLK

    xs = pl.pallas_call(
        _scale_kernel,
        grid=(gridn,),
        in_specs=[
            pl.BlockSpec((_NC, BLK), lambda i: (0, i)),
            pl.BlockSpec((BLK, din), lambda i: (i, 0)),
        ],
        out_specs=pl.BlockSpec((BLK, din), lambda i: (i, 0)),
        out_shape=jax.ShapeDtypeStruct((npad, din), jnp.bfloat16),
    )(deg, xp)

    p1 = _make_agg(npad, nch, din)(xs, src2d, dst2d, zerosf)

    h1s = pl.pallas_call(
        _layer1_kernel,
        grid=(gridn,),
        in_specs=[
            pl.BlockSpec((_NC, BLK), lambda i: (0, i)),
            pl.BlockSpec((_NC, BLK, din), lambda i: (0, i, 0)),
            pl.BlockSpec((din, hid), lambda i: (0, 0)),
            pl.BlockSpec((1, hid), lambda i: (0, 0)),
        ],
        out_specs=pl.BlockSpec((BLK, hid), lambda i: (i, 0)),
        out_shape=jax.ShapeDtypeStruct((npad, hid), jnp.bfloat16),
    )(deg, p1, W1, b1.reshape(1, hid))

    p2 = _make_agg(npad, nch, hid)(h1s, src2d, dst2d, zerosf)

    y = pl.pallas_call(
        functools.partial(_layer2_kernel, nblocks=gridn, n_nodes=n, blk=BLK),
        grid=(gridn,),
        in_specs=[
            pl.BlockSpec((_NC, BLK), lambda i: (0, i)),
            pl.BlockSpec((_NC, BLK, hid), lambda i: (0, i, 0)),
            pl.BlockSpec((hid, out2), lambda i: (0, 0)),
            pl.BlockSpec((1, out2), lambda i: (0, 0)),
            pl.BlockSpec((out2, ncls), lambda i: (0, 0)),
            pl.BlockSpec((1, ncls), lambda i: (0, 0)),
        ],
        out_specs=pl.BlockSpec((1, ncls), lambda i: (0, 0)),
        out_shape=jax.ShapeDtypeStruct((1, ncls), jnp.float32),
        scratch_shapes=[pltpu.VMEM((1, out2), jnp.float32)],
    )(deg, p2, W2, b2.reshape(1, out2), W3, b3.reshape(1, ncls))

    return y

# --- scband reference (transcript-rebuilt; emitter-appended) ---
"""Pipeline reference for scband-classifier-6571299963291 (READ-ONLY COPY).

The authoritative reference and input builder live on the scoring server;
editing this copy changes nothing except your own understanding.
"""

import jax, jax.numpy as jnp
import numpy as np

N = 10000
E = 320000
IN_DIM = 128
HID = 128
OUT2 = 256
NCLS = 16


def setup_inputs(seed: int = 0) -> dict:
    key = jax.random.key(seed)
    ks = jax.random.split(key, 9)
    x = jax.random.normal(ks[0], (N, IN_DIM), dtype=jnp.float32)
    edge_index = jax.random.randint(ks[1], (2, E), 0, N, dtype=jnp.int32)
    W1 = jax.random.normal(ks[2], (IN_DIM, HID), dtype=jnp.float32) / np.sqrt(IN_DIM)
    b1 = jnp.zeros((HID,), dtype=jnp.float32)
    W2 = jax.random.normal(ks[3], (HID, OUT2), dtype=jnp.float32) / np.sqrt(HID)
    b2 = jnp.zeros((OUT2,), dtype=jnp.float32)
    W3 = jax.random.normal(ks[4], (OUT2, NCLS), dtype=jnp.float32) / np.sqrt(OUT2)
    b3 = jnp.zeros((NCLS,), dtype=jnp.float32)
    return {"x": x, "edge_index": edge_index, "W1": W1, "b1": b1, "W2": W2, "b2": b2, "W3": W3, "b3": b3}


def _sg_conv(x, edge_index, W, b):
    # DGL SGConv with k=1: symmetric-normalized aggregation then linear
    src = edge_index[0]
    dst = edge_index[1]
    deg = jax.ops.segment_sum(jnp.ones((E,), dtype=jnp.float32), dst, num_segments=N)
    norm = jnp.where(deg > 0, jax.lax.rsqrt(jnp.maximum(deg, 1.0)), 0.0)
    h = x * norm[:, None]
    msg = jnp.take(h, src, axis=0)
    agg = jax.ops.segment_sum(msg, dst, num_segments=N)
    agg = agg * norm[:, None]
    return agg @ W + b


def reference(x, edge_index, W1, b1, W2, b2, W3, b3):
    h = jax.nn.relu(_sg_conv(x, edge_index, W1, b1))
    h = jax.nn.relu(_sg_conv(h, edge_index, W2, b2))
    hg = jnp.mean(h, axis=0, keepdims=True)  # AvgPooling over the single graph
    y = hg @ W3 + b3
    return y

if __name__ == "__main__":
    import jax
    _d = setup_inputs()
    print(jax.jit(kernel)(*tuple(_d.values())))

</pallas_src>

<mosaic_0001>
#map = affine_map<(d0, d1) -> (0, 0)>
#map1 = affine_map<(d0, d1) -> (0, 0, 0)>
module attributes {stable_mosaic.version = 14 : i64} {
  func.func @agg_kernel(%arg0: i32, %arg1: i32, %arg2: memref<10240x128xbf16, #tpu.memory_space<hbm>>, %arg3: memref<3200x100xi32, #tpu.memory_space<hbm>>, %arg4: memref<3200x100xi32, #tpu.memory_space<hbm>>, %arg5: memref<640x128xbf16, #tpu.memory_space<hbm>>, %arg6: memref<2x10240x128xbf16, #tpu.memory_space<hbm>>, %arg7: memref<10240x128xbf16, #tpu.memory_space<vmem_shared>>, %arg8: memref<100x100xi32, #tpu.memory_space<vmem>>, %arg9: memref<100x100xi32, #tpu.memory_space<vmem>>, %arg10: memref<100x128xbf16, #tpu.memory_space<vmem>>, %arg11: memref<100x128xbf16, #tpu.memory_space<vmem>>, %arg12: memref<100x128xbf16, #tpu.memory_space<vmem>>, %arg13: memref<100x128xbf16, #tpu.memory_space<vmem>>, %arg14: memref<4x!tpu.dma_semaphore, #tpu.memory_space<semaphore_mem>>, %arg15: memref<4x!tpu.dma_semaphore, #tpu.memory_space<semaphore_mem>>) attributes {dimension_semantics = [#tpu.dimension_semantics<core_parallel>, #tpu.dimension_semantics<subcore_parallel>], iteration_bounds = array<i64: 2, 16>, scalar_prefetch = 0 : i64, scratch_operands = 9 : i64, tpu.core_type = #tpu.core_type<sc_vector_subcore>, window_params = [{transform_indices = #map}, {transform_indices = #map}, {transform_indices = #map}, {transform_indices = #map}, {transform_indices = #map1}]} {
    %mul3A = arith.constant 2 : i32
    %mul3A_0 = arith.muli %arg1, %mul3A : i32
    %add3A = arith.addi %mul3A_0, %arg0 : i32
    %mul3A_1 = arith.constant 100 : i32
    %mul3A_2 = arith.muli %add3A, %mul3A_1 : i32
    "tpu.region"() ({
      %run_scoped3A = tpu.sem_alloc : memref<!tpu.dma_semaphore, #tpu.memory_space<semaphore_mem>>
      %dma_start3A_95 = arith.constant 0 : i32
      %dma_start3A_96 = tpu.memref_slice %arg3[%mul3A_2, %dma_start3A_95] : memref<3200x100xi32, #tpu.memory_space<hbm>> -> memref<100x100xi32, #tpu.memory_space<hbm>>
      %dma_start3A_97 = arith.constant 0 : i32
      %dma_start3A_98 = tpu.memref_slice %arg3[%mul3A_2, %dma_start3A_97] : memref<3200x100xi32, #tpu.memory_space<hbm>> -> memref<100x100xi32, #tpu.memory_space<hbm>>
      tpu.enqueue_dma source(%dma_start3A_98 : memref<100x100xi32, #tpu.memory_space<hbm>>) target(%arg8 : memref<100x100xi32, #tpu.memory_space<vmem>>) target_semaphore(%run_scoped3A : memref<!tpu.dma_semaphore, #tpu.memory_space<semaphore_mem>>)
      %dma_wait3A_99 = arith.constant 0 : i32
      %dma_wait3A_100 = tpu.memref_slice %arg3[%mul3A_2, %dma_wait3A_99] : memref<3200x100xi32, #tpu.memory_space<hbm>> -> memref<100x100xi32, #tpu.memory_space<hbm>>
      %dma_wait3A_101 = arith.constant 0 : i32
      %dma_wait3A_102 = tpu.memref_slice %arg3[%mul3A_2, %dma_wait3A_101] : memref<3200x100xi32, #tpu.memory_space<hbm>> -> memref<100x100xi32, #tpu.memory_space<hbm>>
      tpu.wait_dma2 semaphore(%run_scoped3A : memref<!tpu.dma_semaphore, #tpu.memory_space<semaphore_mem>>) src(%dma_wait3A_102 : memref<100x100xi32, #tpu.memory_space<hbm>>) dst(%arg8 : memref<100x100xi32, #tpu.memory_space<vmem>>)
      tpu.yield
    }) : () -> ()
    %mul3A_3 = arith.constant 100 : i32
    %mul3A_4 = arith.muli %add3A, %mul3A_3 : i32
    "tpu.region"() ({
      %run_scoped3A = tpu.sem_alloc : memref<!tpu.dma_semaphore, #tpu.memory_space<semaphore_mem>>
      %dma_start3A_95 = arith.constant 0 : i32
      %dma_start3A_96 = tpu.memref_slice %arg4[%mul3A_4, %dma_start3A_95] : memref<3200x100xi32, #tpu.memory_space<hbm>> -> memref<100x100xi32, #tpu.memory_space<hbm>>
      %dma_start3A_97 = arith.constant 0 : i32
      %dma_start3A_98 = tpu.memref_slice %arg4[%mul3A_4, %dma_start3A_97] : memref<3200x100xi32, #tpu.memory_space<hbm>> -> memref<100x100xi32, #tpu.memory_space<hbm>>
      tpu.enqueue_dma source(%dma_start3A_98 : memref<100x100xi32, #tpu.memory_space<hbm>>) target(%arg9 : memref<100x100xi32, #tpu.memory_space<vmem>>) target_semaphore(%run_scoped3A : memref<!tpu.dma_semaphore, #tpu.memory_space<semaphore_mem>>)
      %dma_wait3A_99 = arith.constant 0 : i32
      %dma_wait3A_100 = tpu.memref_slice %arg4[%mul3A_4, %dma_wait3A_99] : memref<3200x100xi32, #tpu.memory_space<hbm>> -> memref<100x100xi32, #tpu.memory_space<hbm>>
      %dma_wait3A_101 = arith.constant 0 : i32
      %dma_wait3A_102 = tpu.memref_slice %arg4[%mul3A_4, %dma_wait3A_101] : memref<3200x100xi32, #tpu.memory_space<hbm>> -> memref<100x100xi32, #tpu.memory_space<hbm>>
      tpu.wait_dma2 semaphore(%run_scoped3A : memref<!tpu.dma_semaphore, #tpu.memory_space<semaphore_mem>>) src(%dma_wait3A_102 : memref<100x100xi32, #tpu.memory_space<hbm>>) dst(%arg9 : memref<100x100xi32, #tpu.memory_space<vmem>>)
      tpu.yield
    }) : () -> ()
    %mul3A_5 = arith.constant 640 : i32
    %mul3A_6 = arith.muli %arg1, %mul3A_5 : i32
    "tpu.region"() ({
      %run_scoped3A = tpu.sem_alloc : memref<!tpu.dma_semaphore, #tpu.memory_space<semaphore_mem>>
      %dma_start3A_95 = arith.constant 0 : i32
      %dma_start3A_96 = tpu.memref_slice %arg7[%mul3A_6, %dma_start3A_95] : memref<10240x128xbf16, #tpu.memory_space<vmem_shared>> -> memref<640x128xbf16, #tpu.memory_space<vmem_shared>>
      tpu.enqueue_dma source(%arg5 : memref<640x128xbf16, #tpu.memory_space<hbm>>) target(%dma_start3A_96 : memref<640x128xbf16, #tpu.memory_space<vmem_shared>>) target_semaphore(%run_scoped3A : memref<!tpu.dma_semaphore, #tpu.memory_space<semaphore_mem>>)
      %dma_wait3A_97 = arith.constant 0 : i32
      %dma_wait3A_98 = tpu.memref_slice %arg7[%mul3A_6, %dma_wait3A_97] : memref<10240x128xbf16, #tpu.memory_space<vmem_shared>> -> memref<640x128xbf16, #tpu.memory_space<vmem_shared>>
      tpu.wait_dma2 semaphore(%run_scoped3A : memref<!tpu.dma_semaphore, #tpu.memory_space<semaphore_mem>>) src(%arg5 : memref<640x128xbf16, #tpu.memory_space<hbm>>) dst(%dma_wait3A_98 : memref<640x128xbf16, #tpu.memory_space<vmem_shared>>)
      tpu.yield
    }) : () -> ()
    %barrier3A = arith.constant 0 : index
    tpu.barrier barrier_id(%barrier3A)
    %dma_start3A = arith.constant 0 : i32
    %dma_start3A_7 = arith.constant 0 : i32
    %dma_start3A_8 = arith.constant 0 : i32
    %dma_start3A_9 = tpu.memref_slice %arg8[%dma_start3A, %dma_start3A_8] : memref<100x100xi32, #tpu.memory_space<vmem>> -> memref<1x100xi32, #tpu.memory_space<vmem>>
    %dma_start3A_10 = tpu.memref_squeeze %dma_start3A_9 : memref<1x100xi32, #tpu.memory_space<vmem>> -> memref<100xi32, #tpu.memory_space<vmem>>
    %dma_start3A_11 = arith.constant 0 : i32
    %dma_start3A_12 = arith.constant 0 : i32
    %dma_start3A_13 = tpu.memref_slice %arg2[%dma_start3A_11, %dma_start3A_12] : memref<10240x128xbf16, #tpu.memory_space<hbm>> -> memref<10240x128xbf16, #tpu.memory_space<hbm>>
    %dma_start3A_14 = tpu.memref_slice %arg14[%dma_start3A_7] : memref<4x!tpu.dma_semaphore, #tpu.memory_space<semaphore_mem>> -> memref<1x!tpu.dma_semaphore, #tpu.memory_space<semaphore_mem>>
    %dma_start3A_15 = tpu.memref_squeeze %dma_start3A_14 : memref<1x!tpu.dma_semaphore, #tpu.memory_space<semaphore_mem>> -> memref<!tpu.dma_semaphore, #tpu.memory_space<semaphore_mem>>
    tpu.enqueue_indirect_dma source(%dma_start3A_13 : memref<10240x128xbf16, #tpu.memory_space<hbm>>) target(%arg10 : memref<100x128xbf16, #tpu.memory_space<vmem>>) offsets(%dma_start3A_10 : memref<100xi32, #tpu.memory_space<vmem>>) semaphore(%dma_start3A_15 : memref<!tpu.dma_semaphore, #tpu.memory_space<semaphore_mem>>)
    %dma_start3A_16 = arith.constant 1 : i32
    %dma_start3A_17 = arith.constant 1 : i32
    %dma_start3A_18 = arith.constant 0 : i32
    %dma_start3A_19 = tpu.memref_slice %arg8[%dma_start3A_16, %dma_start3A_18] : memref<100x100xi32, #tpu.memory_space<vmem>> -> memref<1x100xi32, #tpu.memory_space<vmem>>
    %dma_start3A_20 = tpu.memref_squeeze %dma_start3A_19 : memref<1x100xi32, #tpu.memory_space<vmem>> -> memref<100xi32, #tpu.memory_space<vmem>>
    %dma_start3A_21 = arith.constant 0 : i32
    %dma_start3A_22 = arith.constant 0 : i32
    %dma_start3A_23 = tpu.memref_slice %arg2[%dma_start3A_21, %dma_start3A_22] : memref<10240x128xbf16, #tpu.memory_space<hbm>> -> memref<10240x128xbf16, #tpu.memory_space<hbm>>
    %dma_start3A_24 = tpu.memref_slice %arg14[%dma_start3A_17] : memref<4x!tpu.dma_semaphore, #tpu.memory_space<semaphore_mem>> -> memref<1x!tpu.dma_semaphore, #tpu.memory_space<semaphore_mem>>
    %dma_start3A_25 = tpu.memref_squeeze %dma_start3A_24 : memref<1x!tpu.dma_semaphore, #tpu.memory_space<semaphore_mem>> -> memref<!tpu.dma_semaphore, #tpu.memory_space<semaphore_mem>>
    tpu.enqueue_indirect_dma source(%dma_start3A_23 : memref<10240x128xbf16, #tpu.memory_space<hbm>>) target(%arg11 : memref<100x128xbf16, #tpu.memory_space<vmem>>) offsets(%dma_start3A_20 : memref<100xi32, #tpu.memory_space<vmem>>) semaphore(%dma_start3A_25 : memref<!tpu.dma_semaphore, #tpu.memory_space<semaphore_mem>>)
    %dma_start3A_26 = arith.constant 2 : i32
    %dma_start3A_27 = arith.constant 2 : i32
    %dma_start3A_28 = arith.constant 0 : i32
    %dma_start3A_29 = tpu.memref_slice %arg8[%dma_start3A_26, %dma_start3A_28] : memref<100x100xi32, #tpu.memory_space<vmem>> -> memref<1x100xi32, #tpu.memory_space<vmem>>
    %dma_start3A_30 = tpu.memref_squeeze %dma_start3A_29 : memref<1x100xi32, #tpu.memory_space<vmem>> -> memref<100xi32, #tpu.memory_space<vmem>>
    %dma_start3A_31 = arith.constant 0 : i32
    %dma_start3A_32 = arith.constant 0 : i32
    %dma_start3A_33 = tpu.memref_slice %arg2[%dma_start3A_31, %dma_start3A_32] : memref<10240x128xbf16, #tpu.memory_space<hbm>> -> memref<10240x128xbf16, #tpu.memory_space<hbm>>
    %dma_start3A_34 = tpu.memref_slice %arg14[%dma_start3A_27] : memref<4x!tpu.dma_semaphore, #tpu.memory_space<semaphore_mem>> -> memref<1x!tpu.dma_semaphore, #tpu.memory_space<semaphore_mem>>
    %dma_start3A_35 = tpu.memref_squeeze %dma_start3A_34 : memref<1x!tpu.dma_semaphore, #tpu.memory_space<semaphore_mem>> -> memref<!tpu.dma_semaphore, #tpu.memory_space<semaphore_mem>>
    tpu.enqueue_indirect_dma source(%dma_start3A_33 : memref<10240x128xbf16, #tpu.memory_space<hbm>>) target(%arg12 : memref<100x128xbf16, #tpu.memory_space<vmem>>) offsets(%dma_start3A_30 : memref<100xi32, #tpu.memory_space<vmem>>) semaphore(%dma_start3A_35 : memref<!tpu.dma_semaphore, #tpu.memory_space<semaphore_mem>>)
    %dma_start3A_36 = arith.constant 3 : i32
    %dma_start3A_37 = arith.constant 3 : i32
    %dma_start3A_38 = arith.constant 0 : i32
    %dma_start3A_39 = tpu.memref_slice %arg8[%dma_start3A_36, %dma_start3A_38] : memref<100x100xi32, #tpu.memory_space<vmem>> -> memref<1x100xi32, #tpu.memory_space<vmem>>
    %dma_start3A_40 = tpu.memref_squeeze %dma_start3A_39 : memref<1x100xi32, #tpu.memory_space<vmem>> -> memref<100xi32, #tpu.memory_space<vmem>>
    %dma_start3A_41 = arith.constant 0 : i32
    %dma_start3A_42 = arith.constant 0 : i32
    %dma_start3A_43 = tpu.memref_slice %arg2[%dma_start3A_41, %dma_start3A_42] : memref<10240x128xbf16, #tpu.memory_space<hbm>> -> memref<10240x128xbf16, #tpu.memory_space<hbm>>
    %dma_start3A_44 = tpu.memref_slice %arg14[%dma_start3A_37] : memref<4x!tpu.dma_semaphore, #tpu.memory_space<semaphore_mem>> -> memref<1x!tpu.dma_semaphore, #tpu.memory_space<semaphore_mem>>
    %dma_start3A_45 = tpu.memref_squeeze %dma_start3A_44 : memref<1x!tpu.dma_semaphore, #tpu.memory_space<semaphore_mem>> -> memref<!tpu.dma_semaphore, #tpu.memory_space<semaphore_mem>>
    tpu.enqueue_indirect_dma source(%dma_start3A_43 : memref<10240x128xbf16, #tpu.memory_space<hbm>>) target(%arg13 : memref<100x128xbf16, #tpu.memory_space<vmem>>) offsets(%dma_start3A_40 : memref<100xi32, #tpu.memory_space<vmem>>) semaphore(%dma_start3A_45 : memref<!tpu.dma_semaphore, #tpu.memory_space<semaphore_mem>>)
    %scan3A = arith.constant 0 : i32
    %scan3A_46 = arith.constant 0 : i32
    %scan3A_47 = arith.constant 25 : i32
    %scan3A_48 = arith.addi %scan3A_46, %scan3A_47 : i32
    %scan3A_49 = arith.constant 1 : i32
    scf.for %scan3A_95 = %scan3A_46 to %scan3A_48 step %scan3A_49  : i32 {
      %mul3A_96 = arith.constant 4 : i32
      %mul3A_97 = arith.muli %scan3A_95, %mul3A_96 : i32
      %add3A_98 = arith.constant 0 : i32
      %add3A_99 = arith.addi %mul3A_97, %add3A_98 : i32
      %dma_wait3A_100 = arith.constant 0 : i32
      %dma_wait3A_101 = arith.constant 0 : i32
      %dma_wait3A_102 = tpu.memref_slice %arg8[%add3A_99, %dma_wait3A_101] : memref<100x100xi32, #tpu.memory_space<vmem>> -> memref<1x100xi32, #tpu.memory_space<vmem>>
      %dma_wait3A_103 = tpu.memref_squeeze %dma_wait3A_102 : memref<1x100xi32, #tpu.memory_space<vmem>> -> memref<100xi32, #tpu.memory_space<vmem>>
      %dma_wait3A_104 = arith.constant 0 : i32
      %dma_wait3A_105 = arith.constant 0 : i32
      %dma_wait3A_106 = tpu.memref_slice %arg2[%dma_wait3A_104, %dma_wait3A_105] : memref<10240x128xbf16, #tpu.memory_space<hbm>> -> memref<10240x128xbf16, #tpu.memory_space<hbm>>
      %dma_wait3A_107 = tpu.memref_slice %arg14[%dma_wait3A_100] : memref<4x!tpu.dma_semaphore, #tpu.memory_space<semaphore_mem>> -> memref<1x!tpu.dma_semaphore, #tpu.memory_space<semaphore_mem>>
      %dma_wait3A_108 = tpu.memref_squeeze %dma_wait3A_107 : memref<1x!tpu.dma_semaphore, #tpu.memory_space<semaphore_mem>> -> memref<!tpu.dma_semaphore, #tpu.memory_space<semaphore_mem>>
      tpu.wait_indirect_dma semaphore(%dma_wait3A_108 : memref<!tpu.dma_semaphore, #tpu.memory_space<semaphore_mem>>) src(%dma_wait3A_106 : memref<10240x128xbf16, #tpu.memory_space<hbm>>) dst(%arg10 : memref<100x128xbf16, #tpu.memory_space<vmem>>)
      %dma_start3A_109 = arith.constant 0 : i32
      %dma_start3A_110 = arith.constant 0 : i32
      %dma_start3A_111 = tpu.memref_slice %arg9[%add3A_99, %dma_start3A_110] : memref<100x100xi32, #tpu.memory_space<vmem>> -> memref<1x100xi32, #tpu.memory_space<vmem>>
      %dma_start3A_112 = tpu.memref_squeeze %dma_start3A_111 : memref<1x100xi32, #tpu.memory_space<vmem>> -> memref<100xi32, #tpu.memory_space<vmem>>
      %dma_start3A_113 = arith.constant 0 : i32
      %dma_start3A_114 = arith.constant 0 : i32
      %dma_start3A_115 = tpu.memref_slice %arg7[%dma_start3A_113, %dma_start3A_114] : memref<10240x128xbf16, #tpu.memory_space<vmem_shared>> -> memref<10240x128xbf16, #tpu.memory_space<vmem_shared>>
      %dma_start3A_116 = tpu.memref_slice %arg15[%dma_start3A_109] : memref<4x!tpu.dma_semaphore, #tpu.memory_space<semaphore_mem>> -> memref<1x!tpu.dma_semaphore, #tpu.memory_space<semaphore_mem>>
      %dma_start3A_117 = tpu.memref_squeeze %dma_start3A_116 : memref<1x!tpu.dma_semaphore, #tpu.memory_space<semaphore_mem>> -> memref<!tpu.dma_semaphore, #tpu.memory_space<semaphore_mem>>
      tpu.enqueue_indirect_dma source(%arg10 : memref<100x128xbf16, #tpu.memory_space<vmem>>) target(%dma_start3A_115 : memref<10240x128xbf16, #tpu.memory_space<vmem_shared>>) offsets(%dma_start3A_112 : memref<100xi32, #tpu.memory_space<vmem>>) semaphore(%dma_start3A_117 : memref<!tpu.dma_semaphore, #tpu.memory_space<semaphore_mem>>) {add = true}
      %ge3A = arith.constant 2 : i32
      %ge3A_118 = arith.cmpi sge, %add3A_99, %ge3A : i32
      %add3A_119 = arith.constant 4 : i32
      %add3A_120 = arith.addi %add3A_99, %add3A_119 : i32
      %sub3A = arith.constant 2 : i32
      %sub3A_121 = arith.subi %add3A_120, %sub3A : i32
      %lt3A = arith.constant 100 : i32
      %lt3A_122 = arith.cmpi slt, %sub3A_121, %lt3A : i32
      %and3A = arith.andi %ge3A_118, %lt3A_122 : i1
      %convert_element_type3A = arith.extui %and3A : i1 to i32
      %cond3A = arith.constant 0 : i32
      %cond3A_123 = arith.cmpi ne, %convert_element_type3A, %cond3A : i32
      scf.if %cond3A_123 {
        %sub3A_226 = arith.constant 2 : i32
        %sub3A_227 = arith.subi %add3A_99, %sub3A_226 : i32
        %dma_wait3A_228 = arith.constant 2 : i32
        %dma_wait3A_229 = arith.constant 0 : i32
        %dma_wait3A_230 = tpu.memref_slice %arg9[%sub3A_227, %dma_wait3A_229] : memref<100x100xi32, #tpu.memory_space<vmem>> -> memref<1x100xi32, #tpu.memory_space<vmem>>
        %dma_wait3A_231 = tpu.memref_squeeze %dma_wait3A_230 : memref<1x100xi32, #tpu.memory_space<vmem>> -> memref<100xi32, #tpu.memory_space<vmem>>
        %dma_wait3A_232 = arith.constant 0 : i32
        %dma_wait3A_233 = arith.constant 0 : i32
        %dma_wait3A_234 = tpu.memref_slice %arg7[%dma_wait3A_232, %dma_wait3A_233] : memref<10240x128xbf16, #tpu.memory_space<vmem_shared>> -> memref<10240x128xbf16, #tpu.memory_space<vmem_shared>>
        %dma_wait3A_235 = tpu.memref_slice %arg15[%dma_wait3A_228] : memref<4x!tpu.dma_semaphore, #tpu.memory_space<semaphore_mem>> -> memref<1x!tpu.dma_semaphore, #tpu.memory_space<semaphore_mem>>
        %dma_wait3A_236 = tpu.memref_squeeze %dma_wait3A_235 : memref<1x!tpu.dma_semaphore, #tpu.memory_space<semaphore_mem>> -> memref<!tpu.dma_semaphore, #tpu.memory_space<semaphore_mem>>
        tpu.wait_indirect_dma semaphore(%dma_wait3A_236 : memref<!tpu.dma_semaphore, #tpu.memory_space<semaphore_mem>>) src(%arg12 : memref<100x128xbf16, #tpu.memory_space<vmem>>) dst(%dma_wait3A_234 : memref<10240x128xbf16, #tpu.memory_space<vmem_shared>>)
        %add3A_237 = arith.constant 4 : i32
        %add3A_238 = arith.addi %add3A_99, %add3A_237 : i32
        %sub3A_239 = arith.constant 2 : i32
        %sub3A_240 = arith.subi %add3A_238, %sub3A_239 : i32
        %dma_start3A_241 = arith.constant 2 : i32
        %dma_start3A_242 = arith.constant 0 : i32
        %dma_start3A_243 = tpu.memref_slice %arg8[%sub3A_240, %dma_start3A_242] : memref<100x100xi32, #tpu.memory_space<vmem>> -> memref<1x100xi32, #tpu.memory_space<vmem>>
        %dma_start3A_244 = tpu.memref_squeeze %dma_start3A_243 : memref<1x100xi32, #tpu.memory_space<vmem>> -> memref<100xi32, #tpu.memory_space<vmem>>
        %dma_start3A_245 = arith.constant 0 : i32
        %dma_start3A_246 = arith.constant 0 : i32
        %dma_start3A_247 = tpu.memref_slice %arg2[%dma_start3A_245, %dma_start3A_246] : memref<10240x128xbf16, #tpu.memory_space<hbm>> -> memref<10240x128xbf16, #tpu.memory_space<hbm>>
        %dma_start3A_248 = tpu.memref_slice %arg14[%dma_start3A_241] : memref<4x!tpu.dma_semaphore, #tpu.memory_space<semaphore_mem>> -> memref<1x!tpu.dma_semaphore, #tpu.memory_space<semaphore_mem>>
        %dma_start3A_249 = tpu.memref_squeeze %dma_start3A_248 : memref<1x!tpu.dma_semaphore, #tpu.memory_space<semaphore_mem>> -> memref<!tpu.dma_semaphore, #tpu.memory_space<semaphore_mem>>
        tpu.enqueue_indirect_dma source(%dma_start3A_247 : memref<10240x128xbf16, #tpu.memory_space<hbm>>) target(%arg12 : memref<100x128xbf16, #tpu.memory_space<vmem>>) offsets(%dma_start3A_244 : memref<100xi32, #tpu.memory_space<vmem>>) semaphore(%dma_start3A_249 : memref<!tpu.dma_semaphore, #tpu.memory_space<semaphore_mem>>)
      } else {
      }
      %mul3A_124 = arith.constant 4 : i32
      %mul3A_125 = arith.muli %scan3A_95, %mul3A_124 : i32
      %add3A_126 = arith.constant 1 : i32
      %add3A_127 = arith.addi %mul3A_125, %add3A_126 : i32
      %dma_wait3A_128 = arith.constant 1 : i32
      %dma_wait3A_129 = arith.constant 0 : i32
      %dma_wait3A_130 = tpu.memref_slice %arg8[%add3A_127, %dma_wait3A_129] : memref<100x100xi32, #tpu.memory_space<vmem>> -> memref<1x100xi32, #tpu.memory_space<vmem>>
      %dma_wait3A_131 = tpu.memref_squeeze %dma_wait3A_130 : memref<1x100xi32, #tpu.memory_space<vmem>> -> memref<100xi32, #tpu.memory_space<vmem>>
      %dma_wait3A_132 = arith.constant 0 : i32
      %dma_wait3A_133 = arith.constant 0 : i32
      %dma_wait3A_134 = tpu.memref_slice %arg2[%dma_wait3A_132, %dma_wait3A_133] : memref<10240x128xbf16, #tpu.memory_space<hbm>> -> memref<10240x128xbf16, #tpu.memory_space<hbm>>
      %dma_wait3A_135 = tpu.memref_slice %arg14[%dma_wait3A_128] : memref<4x!tpu.dma_semaphore, #tpu.memory_space<semaphore_mem>> -> memref<1x!tpu.dma_semaphore, #tpu.memory_space<semaphore_mem>>
      %dma_wait3A_136 = tpu.memref_squeeze %dma_wait3A_135 : memref<1x!tpu.dma_semaphore, #tpu.memory_space<semaphore_mem>> -> memref<!tpu.dma_semaphore, #tpu.memory_space<semaphore_mem>>
      tpu.wait_indirect_dma semaphore(%dma_wait3A_136 : memref<!tpu.dma_semaphore, #tpu.memory_space<semaphore_mem>>) src(%dma_wait3A_134 : memref<10240x128xbf16, #tpu.memory_space<hbm>>) dst(%arg11 : memref<100x128xbf16, #tpu.memory_space<vmem>>)
      %dma_start3A_137 = arith.constant 1 : i32
      %dma_start3A_138 = arith.constant 0 : i32
      %dma_start3A_139 = tpu.memref_slice %arg9[%add3A_127, %dma_start3A_138] : memref<100x100xi32, #tpu.memory_space<vmem>> -> memref<1x100xi32, #tpu.memory_space<vmem>>
      %dma_start3A_140 = tpu.memref_squeeze %dma_start3A_139 : memref<1x100xi32, #tpu.memory_space<vmem>> -> memref<100xi32, #tpu.memory_space<vmem>>
      %dma_start3A_141 = arith.constant 0 : i32
      %dma_start3A_142 = arith.constant 0 : i32
      %dma_start3A_143 = tpu.memref_slice %arg7[%dma_start3A_141, %dma_start3A_142] : memref<10240x128xbf16, #tpu.memory_space<vmem_shared>> -> memref<10240x128xbf16, #tpu.memory_space<vmem_shared>>
      %dma_start3A_144 = tpu.memref_slice %arg15[%dma_start3A_137] : memref<4x!tpu.dma_semaphore, #tpu.memory_space<semaphore_mem>> -> memref<1x!tpu.dma_semaphore, #tpu.memory_space<semaphore_mem>>
      %dma_start3A_145 = tpu.memref_squeeze %dma_start3A_144 : memref<1x!tpu.dma_semaphore, #tpu.memory_space<semaphore_mem>> -> memref<!tpu.dma_semaphore, #tpu.memory_space<semaphore_mem>>
      tpu.enqueue_indirect_dma source(%arg11 : memref<100x128xbf16, #tpu.memory_space<vmem>>) target(%dma_start3A_143 : memref<10240x128xbf16, #tpu.memory_space<vmem_shared>>) offsets(%dma_start3A_140 : memref<100xi32, #tpu.memory_space<vmem>>) semaphore(%dma_start3A_145 : memref<!tpu.dma_semaphore, #tpu.memory_space<semaphore_mem>>) {add = true}
      %ge3A_146 = arith.constant 2 : i32
      %ge3A_147 = arith.cmpi sge, %add3A_127, %ge3A_146 : i32
      %add3A_148 = arith.constant 4 : i32
      %add3A_149 = arith.addi %add3A_127, %add3A_148 : i32
      %sub3A_150 = arith.constant 2 : i32
      %sub3A_151 = arith.subi %add3A_149, %sub3A_150 : i32
      %lt3A_152 = arith.constant 100 : i32
      %lt3A_153 = arith.cmpi slt, %sub3A_151, %lt3A_152 : i32
      %and3A_154 = arith.andi %ge3A_147, %lt3A_153 : i1
      %convert_element_type3A_155 = arith.extui %and3A_154 : i1 to i32
      %cond3A_156 = arith.constant 0 : i32
      %cond3A_157 = arith.cmpi ne, %convert_element_type3A_155, %cond3A_156 : i32
      scf.if %cond3A_157 {
        %sub3A_226 = arith.constant 2 : i32
        %sub3A_227 = arith.subi %add3A_127, %sub3A_226 : i32
        %dma_wait3A_228 = arith.constant 3 : i32
        %dma_wait3A_229 = arith.constant 0 : i32
        %dma_wait3A_230 = tpu.memref_slice %arg9[%sub3A_227, %dma_wait3A_229] : memref<100x100xi32, #tpu.memory_space<vmem>> -> memref<1x100xi32, #tpu.memory_space<vmem>>
        %dma_wait3A_231 = tpu.memref_squeeze %dma_wait3A_230 : memref<1x100xi32, #tpu.memory_space<vmem>> -> memref<100xi32, #tpu.memory_space<vmem>>
        %dma_wait3A_232 = arith.constant 0 : i32
        %dma_wait3A_233 = arith.constant 0 : i32
        %dma_wait3A_234 = tpu.memref_slice %arg7[%dma_wait3A_232, %dma_wait3A_233] : memref<10240x128xbf16, #tpu.memory_space<vmem_shared>> -> memref<10240x128xbf16, #tpu.memory_space<vmem_shared>>
        %dma_wait3A_235 = tpu.memref_slice %arg15[%dma_wait3A_228] : memref<4x!tpu.dma_semaphore, #tpu.memory_space<semaphore_mem>> -> memref<1x!tpu.dma_semaphore, #tpu.memory_space<semaphore_mem>>
        %dma_wait3A_236 = tpu.memref_squeeze %dma_wait3A_235 : memref<1x!tpu.dma_semaphore, #tpu.memory_space<semaphore_mem>> -> memref<!tpu.dma_semaphore, #tpu.memory_space<semaphore_mem>>
        tpu.wait_indirect_dma semaphore(%dma_wait3A_236 : memref<!tpu.dma_semaphore, #tpu.memory_space<semaphore_mem>>) src(%arg13 : memref<100x128xbf16, #tpu.memory_space<vmem>>) dst(%dma_wait3A_234 : memref<10240x128xbf16, #tpu.memory_space<vmem_shared>>)
        %add3A_237 = arith.constant 4 : i32
        %add3A_238 = arith.addi %add3A_127, %add3A_237 : i32
        %sub3A_239 = arith.constant 2 : i32
        %sub3A_240 = arith.subi %add3A_238, %sub3A_239 : i32
        %dma_start3A_241 = arith.constant 3 : i32
        %dma_start3A_242 = arith.constant 0 : i32
        %dma_start3A_243 = tpu.memref_slice %arg8[%sub3A_240, %dma_start3A_242] : memref<100x100xi32, #tpu.memory_space<vmem>> -> memref<1x100xi32, #tpu.memory_space<vmem>>
        %dma_start3A_244 = tpu.memref_squeeze %dma_start3A_243 : memref<1x100xi32, #tpu.memory_space<vmem>> -> memref<100xi32, #tpu.memory_space<vmem>>
        %dma_start3A_245 = arith.constant 0 : i32
        %dma_start3A_246 = arith.constant 0 : i32
        %dma_start3A_247 = tpu.memref_slice %arg2[%dma_start3A_245, %dma_start3A_246] : memref<10240x128xbf16, #tpu.memory_space<hbm>> -> memref<10240x128xbf16, #tpu.memory_space<hbm>>
        %dma_start3A_248 = tpu.memref_slice %arg14[%dma_start3A_241] : memref<4x!tpu.dma_semaphore, #tpu.memory_space<semaphore_mem>> -> memref<1x!tpu.dma_semaphore, #tpu.memory_space<semaphore_mem>>
        %dma_start3A_249 = tpu.memref_squeeze %dma_start3A_248 : memref<1x!tpu.dma_semaphore, #tpu.memory_space<semaphore_mem>> -> memref<!tpu.dma_semaphore, #tpu.memory_space<semaphore_mem>>
        tpu.enqueue_indirect_dma source(%dma_start3A_247 : memref<10240x128xbf16, #tpu.memory_space<hbm>>) target(%arg13 : memref<100x128xbf16, #tpu.memory_space<vmem>>) offsets(%dma_start3A_244 : memref<100xi32, #tpu.memory_space<vmem>>) semaphore(%dma_start3A_249 : memref<!tpu.dma_semaphore, #tpu.memory_space<semaphore_mem>>)
      } else {
      }
      %mul3A_158 = arith.constant 4 : i32
      %mul3A_159 = arith.muli %scan3A_95, %mul3A_158 : i32
      %add3A_160 = arith.constant 2 : i32
      %add3A_161 = arith.addi %mul3A_159, %add3A_160 : i32
      %dma_wait3A_162 = arith.constant 2 : i32
      %dma_wait3A_163 = arith.constant 0 : i32
      %dma_wait3A_164 = tpu.memref_slice %arg8[%add3A_161, %dma_wait3A_163] : memref<100x100xi32, #tpu.memory_space<vmem>> -> memref<1x100xi32, #tpu.memory_space<vmem>>
      %dma_wait3A_165 = tpu.memref_squeeze %dma_wait3A_164 : memref<1x100xi32, #tpu.memory_space<vmem>> -> memref<100xi32, #tpu.memory_space<vmem>>
      %dma_wait3A_166 = arith.constant 0 : i32
      %dma_wait3A_167 = arith.constant 0 : i32
      %dma_wait3A_168 = tpu.memref_slice %arg2[%dma_wait3A_166, %dma_wait3A_167] : memref<10240x128xbf16, #tpu.memory_space<hbm>> -> memref<10240x128xbf16, #tpu.memory_space<hbm>>
      %dma_wait3A_169 = tpu.memref_slice %arg14[%dma_wait3A_162] : memref<4x!tpu.dma_semaphore, #tpu.memory_space<semaphore_mem>> -> memref<1x!tpu.dma_semaphore, #tpu.memory_space<semaphore_mem>>
      %dma_wait3A_170 = tpu.memref_squeeze %dma_wait3A_169 : memref<1x!tpu.dma_semaphore, #tpu.memory_space<semaphore_mem>> -> memref<!tpu.dma_semaphore, #tpu.memory_space<semaphore_mem>>
      tpu.wait_indirect_dma semaphore(%dma_wait3A_170 : memref<!tpu.dma_semaphore, #tpu.memory_space<semaphore_mem>>) src(%dma_wait3A_168 : memref<10240x128xbf16, #tpu.memory_space<hbm>>) dst(%arg12 : memref<100x128xbf16, #tpu.memory_space<vmem>>)
      %dma_start3A_171 = arith.constant 2 : i32
      %dma_start3A_172 = arith.constant 0 : i32
      %dma_start3A_173 = tpu.memref_slice %arg9[%add3A_161, %dma_start3A_172] : memref<100x100xi32, #tpu.memory_space<vmem>> -> memref<1x100xi32, #tpu.memory_space<vmem>>
      %dma_start3A_174 = tpu.memref_squeeze %dma_start3A_173 : memref<1x100xi32, #tpu.memory_space<vmem>> -> memref<100xi32, #tpu.memory_space<vmem>>
      %dma_start3A_175 = arith.constant 0 : i32
      %dma_start3A_176 = arith.constant 0 : i32
      %dma_start3A_177 = tpu.memref_slice %arg7[%dma_start3A_175, %dma_start3A_176] : memref<10240x128xbf16, #tpu.memory_space<vmem_shared>> -> memref<10240x128xbf16, #tpu.memory_space<vmem_shared>>
      %dma_start3A_178 = tpu.memref_slice %arg15[%dma_start3A_171] : memref<4x!tpu.dma_semaphore, #tpu.memory_space<semaphore_mem>> -> memref<1x!tpu.dma_semaphore, #tpu.memory_space<semaphore_mem>>
      %dma_start3A_179 = tpu.memref_squeeze %dma_start3A_178 : memref<1x!tpu.dma_semaphore, #tpu.memory_space<semaphore_mem>> -> memref<!tpu.dma_semaphore, #tpu.memory_space<semaphore_mem>>
      tpu.enqueue_indirect_dma source(%arg12 : memref<100x128xbf16, #tpu.memory_space<vmem>>) target(%dma_start3A_177 : memref<10240x128xbf16, #tpu.memory_space<vmem_shared>>) offsets(%dma_start3A_174 : memref<100xi32, #tpu.memory_space<vmem>>) semaphore(%dma_start3A_179 : memref<!tpu.dma_semaphore, #tpu.memory_space<semaphore_mem>>) {add = true}
      %ge3A_180 = arith.constant 2 : i32
      %ge3A_181 = arith.cmpi sge, %add3A_161, %ge3A_180 : i32
      %add3A_182 = arith.constant 4 : i32
      %add3A_183 = arith.addi %add3A_161, %add3A_182 : i32
      %sub3A_184 = arith.constant 2 : i32
      %sub3A_185 = arith.subi %add3A_183, %sub3A_184 : i32
      %lt3A_186 = arith.constant 100 : i32
      %lt3A_187 = arith.cmpi slt, %sub3A_185, %lt3A_186 : i32
      %and3A_188 = arith.andi %ge3A_181, %lt3A_187 : i1
      %convert_element_type3A_189 = arith.extui %and3A_188 : i1 to i32
      %cond3A_190 = arith.constant 0 : i32
      %cond3A_191 = arith.cmpi ne, %convert_element_type3A_189, %cond3A_190 : i32
      scf.if %cond3A_191 {
        %sub3A_226 = arith.constant 2 : i32
        %sub3A_227 = arith.subi %add3A_161, %sub3A_226 : i32
        %dma_wait3A_228 = arith.constant 0 : i32
        %dma_wait3A_229 = arith.constant 0 : i32
        %dma_wait3A_230 = tpu.memref_slice %arg9[%sub3A_227, %dma_wait3A_229] : memref<100x100xi32, #tpu.memory_space<vmem>> -> memref<1x100xi32, #tpu.memory_space<vmem>>
        %dma_wait3A_231 = tpu.memref_squeeze %dma_wait3A_230 : memref<1x100xi32, #tpu.memory_space<vmem>> -> memref<100xi32, #tpu.memory_space<vmem>>
        %dma_wait3A_232 = arith.constant 0 : i32
        %dma_wait3A_233 = arith.constant 0 : i32
        %dma_wait3A_234 = tpu.memref_slice %arg7[%dma_wait3A_232, %dma_wait3A_233] : memref<10240x128xbf16, #tpu.memory_space<vmem_shared>> -> memref<10240x128xbf16, #tpu.memory_space<vmem_shared>>
        %dma_wait3A_235 = tpu.memref_slice %arg15[%dma_wait3A_228] : memref<4x!tpu.dma_semaphore, #tpu.memory_space<semaphore_mem>> -> memref<1x!tpu.dma_semaphore, #tpu.memory_space<semaphore_mem>>
        %dma_wait3A_236 = tpu.memref_squeeze %dma_wait3A_235 : memref<1x!tpu.dma_semaphore, #tpu.memory_space<semaphore_mem>> -> memref<!tpu.dma_semaphore, #tpu.memory_space<semaphore_mem>>
        tpu.wait_indirect_dma semaphore(%dma_wait3A_236 : memref<!tpu.dma_semaphore, #tpu.memory_space<semaphore_mem>>) src(%arg10 : memref<100x128xbf16, #tpu.memory_space<vmem>>) dst(%dma_wait3A_234 : memref<10240x128xbf16, #tpu.memory_space<vmem_shared>>)
        %add3A_237 = arith.constant 4 : i32
        %add3A_238 = arith.addi %add3A_161, %add3A_237 : i32
        %sub3A_239 = arith.constant 2 : i32
        %sub3A_240 = arith.subi %add3A_238, %sub3A_239 : i32
        %dma_start3A_241 = arith.constant 0 : i32
        %dma_start3A_242 = arith.constant 0 : i32
        %dma_start3A_243 = tpu.memref_slice %arg8[%sub3A_240, %dma_start3A_242] : memref<100x100xi32, #tpu.memory_space<vmem>> -> memref<1x100xi32, #tpu.memory_space<vmem>>
        %dma_start3A_244 = tpu.memref_squeeze %dma_start3A_243 : memref<1x100xi32, #tpu.memory_space<vmem>> -> memref<100xi32, #tpu.memory_space<vmem>>
        %dma_start3A_245 = arith.constant 0 : i32
        %dma_start3A_246 = arith.constant 0 : i32
        %dma_start3A_247 = tpu.memref_slice %arg2[%dma_start3A_245, %dma_start3A_246] : memref<10240x128xbf16, #tpu.memory_space<hbm>> -> memref<10240x128xbf16, #tpu.memory_space<hbm>>
        %dma_start3A_248 = tpu.memref_slice %arg14[%dma_start3A_241] : memref<4x!tpu.dma_semaphore, #tpu.memory_space<semaphore_mem>> -> memref<1x!tpu.dma_semaphore, #tpu.memory_space<semaphore_mem>>
        %dma_start3A_249 = tpu.memref_squeeze %dma_start3A_248 : memref<1x!tpu.dma_semaphore, #tpu.memory_space<semaphore_mem>> -> memref<!tpu.dma_semaphore, #tpu.memory_space<semaphore_mem>>
        tpu.enqueue_indirect_dma source(%dma_start3A_247 : memref<10240x128xbf16, #tpu.memory_space<hbm>>) target(%arg10 : memref<100x128xbf16, #tpu.memory_space<vmem>>) offsets(%dma_start3A_244 : memref<100xi32, #tpu.memory_space<vmem>>) semaphore(%dma_start3A_249 : memref<!tpu.dma_semaphore, #tpu.memory_space<semaphore_mem>>)
      } else {
      }
      %mul3A_192 = arith.constant 4 : i32
      %mul3A_193 = arith.muli %scan3A_95, %mul3A_192 : i32
      %add3A_194 = arith.constant 3 : i32
      %add3A_195 = arith.addi %mul3A_193, %add3A_194 : i32
      %dma_wait3A_196 = arith.constant 3 : i32
      %dma_wait3A_197 = arith.constant 0 : i32
      %dma_wait3A_198 = tpu.memref_slice %arg8[%add3A_195, %dma_wait3A_197] : memref<100x100xi32, #tpu.memory_space<vmem>> -> memref<1x100xi32, #tpu.memory_space<vmem>>
      %dma_wait3A_199 = tpu.memref_squeeze %dma_wait3A_198 : memref<1x100xi32, #tpu.memory_space<vmem>> -> memref<100xi32, #tpu.memory_space<vmem>>
      %dma_wait3A_200 = arith.constant 0 : i32
      %dma_wait3A_201 = arith.constant 0 : i32
      %dma_wait3A_202 = tpu.memref_slice %arg2[%dma_wait3A_200, %dma_wait3A_201] : memref<10240x128xbf16, #tpu.memory_space<hbm>> -> memref<10240x128xbf16, #tpu.memory_space<hbm>>
      %dma_wait3A_203 = tpu.memref_slice %arg14[%dma_wait3A_196] : memref<4x!tpu.dma_semaphore, #tpu.memory_space<semaphore_mem>> -> memref<1x!tpu.dma_semaphore, #tpu.memory_space<semaphore_mem>>
      %dma_wait3A_204 = tpu.memref_squeeze %dma_wait3A_203 : memref<1x!tpu.dma_semaphore, #tpu.memory_space<semaphore_mem>> -> memref<!tpu.dma_semaphore, #tpu.memory_space<semaphore_mem>>
      tpu.wait_indirect_dma semaphore(%dma_wait3A_204 : memref<!tpu.dma_semaphore, #tpu.memory_space<semaphore_mem>>) src(%dma_wait3A_202 : memref<10240x128xbf16, #tpu.memory_space<hbm>>) dst(%arg13 : memref<100x128xbf16, #tpu.memory_space<vmem>>)
      %dma_start3A_205 = arith.constant 3 : i32
      %dma_start3A_206 = arith.constant 0 : i32
      %dma_start3A_207 = tpu.memref_slice %arg9[%add3A_195, %dma_start3A_206] : memref<100x100xi32, #tpu.memory_space<vmem>> -> memref<1x100xi32, #tpu.memory_space<vmem>>
      %dma_start3A_208 = tpu.memref_squeeze %dma_start3A_207 : memref<1x100xi32, #tpu.memory_space<vmem>> -> memref<100xi32, #tpu.memory_space<vmem>>
      %dma_start3A_209 = arith.constant 0 : i32
      %dma_start3A_210 = arith.constant 0 : i32
      %dma_start3A_211 = tpu.memref_slice %arg7[%dma_start3A_209, %dma_start3A_210] : memref<10240x128xbf16, #tpu.memory_space<vmem_shared>> -> memref<10240x128xbf16, #tpu.memory_space<vmem_shared>>
      %dma_start3A_212 = tpu.memref_slice %arg15[%dma_start3A_205] : memref<4x!tpu.dma_semaphore, #tpu.memory_space<semaphore_mem>> -> memref<1x!tpu.dma_semaphore, #tpu.memory_space<semaphore_mem>>
      %dma_start3A_213 = tpu.memref_squeeze %dma_start3A_212 : memref<1x!tpu.dma_semaphore, #tpu.memory_space<semaphore_mem>> -> memref<!tpu.dma_semaphore, #tpu.memory_space<semaphore_mem>>
      tpu.enqueue_indirect_dma source(%arg13 : memref<100x128xbf16, #tpu.memory_space<vmem>>) target(%dma_start3A_211 : memref<10240x128xbf16, #tpu.memory_space<vmem_shared>>) offsets(%dma_start3A_208 : memref<100xi32, #tpu.memory_space<vmem>>) semaphore(%dma_start3A_213 : memref<!tpu.dma_semaphore, #tpu.memory_space<semaphore_mem>>) {add = true}
      %ge3A_214 = arith.constant 2 : i32
      %ge3A_215 = arith.cmpi sge, %add3A_195, %ge3A_214 : i32
      %add3A_216 = arith.constant 4 : i32
      %add3A_217 = arith.addi %add3A_195, %add3A_216 : i32
      %sub3A_218 = arith.constant 2 : i32
      %sub3A_219 = arith.subi %add3A_217, %sub3A_218 : i32
      %lt3A_220 = arith.constant 100 : i32
      %lt3A_221 = arith.cmpi slt, %sub3A_219, %lt3A_220 : i32
      %and3A_222 = arith.andi %ge3A_215, %lt3A_221 : i1
      %convert_element_type3A_223 = arith.extui %and3A_222 : i1 to i32
      %cond3A_224 = arith.constant 0 : i32
      %cond3A_225 = arith.cmpi ne, %convert_element_type3A_223, %cond3A_224 : i32
      scf.if %cond3A_225 {
        %sub3A_226 = arith.constant 2 : i32
        %sub3A_227 = arith.subi %add3A_195, %sub3A_226 : i32
        %dma_wait3A_228 = arith.constant 1 : i32
        %dma_wait3A_229 = arith.constant 0 : i32
        %dma_wait3A_230 = tpu.memref_slice %arg9[%sub3A_227, %dma_wait3A_229] : memref<100x100xi32, #tpu.memory_space<vmem>> -> memref<1x100xi32, #tpu.memory_space<vmem>>
        %dma_wait3A_231 = tpu.memref_squeeze %dma_wait3A_230 : memref<1x100xi32, #tpu.memory_space<vmem>> -> memref<100xi32, #tpu.memory_space<vmem>>
        %dma_wait3A_232 = arith.constant 0 : i32
        %dma_wait3A_233 = arith.constant 0 : i32
        %dma_wait3A_234 = tpu.memref_slice %arg7[%dma_wait3A_232, %dma_wait3A_233] : memref<10240x128xbf16, #tpu.memory_space<vmem_shared>> -> memref<10240x128xbf16, #tpu.memory_space<vmem_shared>>
        %dma_wait3A_235 = tpu.memref_slice %arg15[%dma_wait3A_228] : memref<4x!tpu.dma_semaphore, #tpu.memory_space<semaphore_mem>> -> memref<1x!tpu.dma_semaphore, #tpu.memory_space<semaphore_mem>>
        %dma_wait3A_236 = tpu.memref_squeeze %dma_wait3A_235 : memref<1x!tpu.dma_semaphore, #tpu.memory_space<semaphore_mem>> -> memref<!tpu.dma_semaphore, #tpu.memory_space<semaphore_mem>>
        tpu.wait_indirect_dma semaphore(%dma_wait3A_236 : memref<!tpu.dma_semaphore, #tpu.memory_space<semaphore_mem>>) src(%arg11 : memref<100x128xbf16, #tpu.memory_space<vmem>>) dst(%dma_wait3A_234 : memref<10240x128xbf16, #tpu.memory_space<vmem_shared>>)
        %add3A_237 = arith.constant 4 : i32
        %add3A_238 = arith.addi %add3A_195, %add3A_237 : i32
        %sub3A_239 = arith.constant 2 : i32
        %sub3A_240 = arith.subi %add3A_238, %sub3A_239 : i32
        %dma_start3A_241 = arith.constant 1 : i32
        %dma_start3A_242 = arith.constant 0 : i32
        %dma_start3A_243 = tpu.memref_slice %arg8[%sub3A_240, %dma_start3A_242] : memref<100x100xi32, #tpu.memory_space<vmem>> -> memref<1x100xi32, #tpu.memory_space<vmem>>
        %dma_start3A_244 = tpu.memref_squeeze %dma_start3A_243 : memref<1x100xi32, #tpu.memory_space<vmem>> -> memref<100xi32, #tpu.memory_space<vmem>>
        %dma_start3A_245 = arith.constant 0 : i32
        %dma_start3A_246 = arith.constant 0 : i32
        %dma_start3A_247 = tpu.memref_slice %arg2[%dma_start3A_245, %dma_start3A_246] : memref<10240x128xbf16, #tpu.memory_space<hbm>> -> memref<10240x128xbf16, #tpu.memory_space<hbm>>
        %dma_start3A_248 = tpu.memref_slice %arg14[%dma_start3A_241] : memref<4x!tpu.dma_semaphore, #tpu.memory_space<semaphore_mem>> -> memref<1x!tpu.dma_semaphore, #tpu.memory_space<semaphore_mem>>
        %dma_start3A_249 = tpu.memref_squeeze %dma_start3A_248 : memref<1x!tpu.dma_semaphore, #tpu.memory_space<semaphore_mem>> -> memref<!tpu.dma_semaphore, #tpu.memory_space<semaphore_mem>>
        tpu.enqueue_indirect_dma source(%dma_start3A_247 : memref<10240x128xbf16, #tpu.memory_space<hbm>>) target(%arg11 : memref<100x128xbf16, #tpu.memory_space<vmem>>) offsets(%dma_start3A_244 : memref<100xi32, #tpu.memory_space<vmem>>) semaphore(%dma_start3A_249 : memref<!tpu.dma_semaphore, #tpu.memory_space<semaphore_mem>>)
      } else {
      }
    }
    %scan3A_50 = arith.constant 25 : i32
    %dma_wait3A = arith.constant 96 : i32
    %dma_wait3A_51 = arith.constant 0 : i32
    %dma_wait3A_52 = arith.constant 0 : i32
    %dma_wait3A_53 = tpu.memref_slice %arg9[%dma_wait3A, %dma_wait3A_52] : memref<100x100xi32, #tpu.memory_space<vmem>> -> memref<1x100xi32, #tpu.memory_space<vmem>>
    %dma_wait3A_54 = tpu.memref_squeeze %dma_wait3A_53 : memref<1x100xi32, #tpu.memory_space<vmem>> -> memref<100xi32, #tpu.memory_space<vmem>>
    %dma_wait3A_55 = arith.constant 0 : i32
    %dma_wait3A_56 = arith.constant 0 : i32
    %dma_wait3A_57 = tpu.memref_slice %arg7[%dma_wait3A_55, %dma_wait3A_56] : memref<10240x128xbf16, #tpu.memory_space<vmem_shared>> -> memref<10240x128xbf16, #tpu.memory_space<vmem_shared>>
    %dma_wait3A_58 = tpu.memref_slice %arg15[%dma_wait3A_51] : memref<4x!tpu.dma_semaphore, #tpu.memory_space<semaphore_mem>> -> memref<1x!tpu.dma_semaphore, #tpu.memory_space<semaphore_mem>>
    %dma_wait3A_59 = tpu.memref_squeeze %dma_wait3A_58 : memref<1x!tpu.dma_semaphore, #tpu.memory_space<semaphore_mem>> -> memref<!tpu.dma_semaphore, #tpu.memory_space<semaphore_mem>>
    tpu.wait_indirect_dma semaphore(%dma_wait3A_59 : memref<!tpu.dma_semaphore, #tpu.memory_space<semaphore_mem>>) src(%arg10 : memref<100x128xbf16, #tpu.memory_space<vmem>>) dst(%dma_wait3A_57 : memref<10240x128xbf16, #tpu.memory_space<vmem_shared>>)
    %dma_wait3A_60 = arith.constant 97 : i32
    %dma_wait3A_61 = arith.constant 1 : i32
    %dma_wait3A_62 = arith.constant 0 : i32
    %dma_wait3A_63 = tpu.memref_slice %arg9[%dma_wait3A_60, %dma_wait3A_62] : memref<100x100xi32, #tpu.memory_space<vmem>> -> memref<1x100xi32, #tpu.memory_space<vmem>>
    %dma_wait3A_64 = tpu.memref_squeeze %dma_wait3A_63 : memref<1x100xi32, #tpu.memory_space<vmem>> -> memref<100xi32, #tpu.memory_space<vmem>>
    %dma_wait3A_65 = arith.constant 0 : i32
    %dma_wait3A_66 = arith.constant 0 : i32
    %dma_wait3A_67 = tpu.memref_slice %arg7[%dma_wait3A_65, %dma_wait3A_66] : memref<10240x128xbf16, #tpu.memory_space<vmem_shared>> -> memref<10240x128xbf16, #tpu.memory_space<vmem_shared>>
    %dma_wait3A_68 = tpu.memref_slice %arg15[%dma_wait3A_61] : memref<4x!tpu.dma_semaphore, #tpu.memory_space<semaphore_mem>> -> memref<1x!tpu.dma_semaphore, #tpu.memory_space<semaphore_mem>>
    %dma_wait3A_69 = tpu.memref_squeeze %dma_wait3A_68 : memref<1x!tpu.dma_semaphore, #tpu.memory_space<semaphore_mem>> -> memref<!tpu.dma_semaphore, #tpu.memory_space<semaphore_mem>>
    tpu.wait_indirect_dma semaphore(%dma_wait3A_69 : memref<!tpu.dma_semaphore, #tpu.memory_space<semaphore_mem>>) src(%arg11 : memref<100x128xbf16, #tpu.memory_space<vmem>>) dst(%dma_wait3A_67 : memref<10240x128xbf16, #tpu.memory_space<vmem_shared>>)
    %dma_wait3A_70 = arith.constant 98 : i32
    %dma_wait3A_71 = arith.constant 2 : i32
    %dma_wait3A_72 = arith.constant 0 : i32
    %dma_wait3A_73 = tpu.memref_slice %arg9[%dma_wait3A_70, %dma_wait3A_72] : memref<100x100xi32, #tpu.memory_space<vmem>> -> memref<1x100xi32, #tpu.memory_space<vmem>>
    %dma_wait3A_74 = tpu.memref_squeeze %dma_wait3A_73 : memref<1x100xi32, #tpu.memory_space<vmem>> -> memref<100xi32, #tpu.memory_space<vmem>>
    %dma_wait3A_75 = arith.constant 0 : i32
    %dma_wait3A_76 = arith.constant 0 : i32
    %dma_wait3A_77 = tpu.memref_slice %arg7[%dma_wait3A_75, %dma_wait3A_76] : memref<10240x128xbf16, #tpu.memory_space<vmem_shared>> -> memref<10240x128xbf16, #tpu.memory_space<vmem_shared>>
    %dma_wait3A_78 = tpu.memref_slice %arg15[%dma_wait3A_71] : memref<4x!tpu.dma_semaphore, #tpu.memory_space<semaphore_mem>> -> memref<1x!tpu.dma_semaphore, #tpu.memory_space<semaphore_mem>>
    %dma_wait3A_79 = tpu.memref_squeeze %dma_wait3A_78 : memref<1x!tpu.dma_semaphore, #tpu.memory_space<semaphore_mem>> -> memref<!tpu.dma_semaphore, #tpu.memory_space<semaphore_mem>>
    tpu.wait_indirect_dma semaphore(%dma_wait3A_79 : memref<!tpu.dma_semaphore, #tpu.memory_space<semaphore_mem>>) src(%arg12 : memref<100x128xbf16, #tpu.memory_space<vmem>>) dst(%dma_wait3A_77 : memref<10240x128xbf16, #tpu.memory_space<vmem_shared>>)
    %dma_wait3A_80 = arith.constant 99 : i32
    %dma_wait3A_81 = arith.constant 3 : i32
    %dma_wait3A_82 = arith.constant 0 : i32
    %dma_wait3A_83 = tpu.memref_slice %arg9[%dma_wait3A_80, %dma_wait3A_82] : memref<100x100xi32, #tpu.memory_space<vmem>> -> memref<1x100xi32, #tpu.memory_space<vmem>>
    %dma_wait3A_84 = tpu.memref_squeeze %dma_wait3A_83 : memref<1x100xi32, #tpu.memory_space<vmem>> -> memref<100xi32, #tpu.memory_space<vmem>>
    %dma_wait3A_85 = arith.constant 0 : i32
    %dma_wait3A_86 = arith.constant 0 : i32
    %dma_wait3A_87 = tpu.memref_slice %arg7[%dma_wait3A_85, %dma_wait3A_86] : memref<10240x128xbf16, #tpu.memory_space<vmem_shared>> -> memref<10240x128xbf16, #tpu.memory_space<vmem_shared>>
    %dma_wait3A_88 = tpu.memref_slice %arg15[%dma_wait3A_81] : memref<4x!tpu.dma_semaphore, #tpu.memory_space<semaphore_mem>> -> memref<1x!tpu.dma_semaphore, #tpu.memory_space<semaphore_mem>>
    %dma_wait3A_89 = tpu.memref_squeeze %dma_wait3A_88 : memref<1x!tpu.dma_semaphore, #tpu.memory_space<semaphore_mem>> -> memref<!tpu.dma_semaphore, #tpu.memory_space<semaphore_mem>>
    tpu.wait_indirect_dma semaphore(%dma_wait3A_89 : memref<!tpu.dma_semaphore, #tpu.memory_space<semaphore_mem>>) src(%arg13 : memref<100x128xbf16, #tpu.memory_space<vmem>>) dst(%dma_wait3A_87 : memref<10240x128xbf16, #tpu.memory_space<vmem_shared>>)
    %barrier3A_90 = arith.constant 0 : index
    tpu.barrier barrier_id(%barrier3A_90)
    %mul3A_91 = arith.constant 640 : i32
    %mul3A_92 = arith.muli %arg1, %mul3A_91 : i32
    %mul3A_93 = arith.constant 640 : i32
    %mul3A_94 = arith.muli %arg1, %mul3A_93 : i32
    "tpu.region"() ({
      %run_scoped3A = tpu.sem_alloc : memref<!tpu.dma_semaphore, #tpu.memory_space<semaphore_mem>>
      %dma_start3A_95 = arith.constant 0 : i32
      %dma_start3A_96 = tpu.memref_slice %arg6[%arg0, %mul3A_94, %dma_start3A_95] : memref<2x10240x128xbf16, #tpu.memory_space<hbm>> -> memref<1x640x128xbf16, #tpu.memory_space<hbm>>
      %dma_start3A_97 = tpu.memref_squeeze %dma_start3A_96 : memref<1x640x128xbf16, #tpu.memory_space<hbm>> -> memref<640x128xbf16, #tpu.memory_space<hbm>>
      %dma_start3A_98 = arith.constant 0 : i32
      %dma_start3A_99 = tpu.memref_slice %arg7[%mul3A_92, %dma_start3A_98] : memref<10240x128xbf16, #tpu.memory_space<vmem_shared>> -> memref<640x128xbf16, #tpu.memory_space<vmem_shared>>
      tpu.enqueue_dma source(%dma_start3A_99 : memref<640x128xbf16, #tpu.memory_space<vmem_shared>>) target(%dma_start3A_97 : memref<640x128xbf16, #tpu.memory_space<hbm>>) target_semaphore(%run_scoped3A : memref<!tpu.dma_semaphore, #tpu.memory_space<semaphore_mem>>)
      %dma_wait3A_100 = arith.constant 0 : i32
      %dma_wait3A_101 = tpu.memref_slice %arg6[%arg0, %mul3A_94, %dma_wait3A_100] : memref<2x10240x128xbf16, #tpu.memory_space<hbm>> -> memref<1x640x128xbf16, #tpu.memory_space<hbm>>
      %dma_wait3A_102 = tpu.memref_squeeze %dma_wait3A_101 : memref<1x640x128xbf16, #tpu.memory_space<hbm>> -> memref<640x128xbf16, #tpu.memory_space<hbm>>
      %dma_wait3A_103 = arith.constant 0 : i32
      %dma_wait3A_104 = tpu.memref_slice %arg7[%mul3A_92, %dma_wait3A_103] : memref<10240x128xbf16, #tpu.memory_space<vmem_shared>> -> memref<640x128xbf16, #tpu.memory_space<vmem_shared>>
      tpu.wait_dma2 semaphore(%run_scoped3A : memref<!tpu.dma_semaphore, #tpu.memory_space<semaphore_mem>>) src(%dma_wait3A_104 : memref<640x128xbf16, #tpu.memory_space<vmem_shared>>) dst(%dma_wait3A_102 : memref<640x128xbf16, #tpu.memory_space<hbm>>)
      tpu.yield
    }) : () -> ()
    return
  }
}

#map = affine_map<(d0, d1) -> (0, 0)>
#map1 = affine_map<(d0, d1) -> (0)>
module attributes {stable_mosaic.version = 14 : i64} {
  func.func @deg_kernel(%arg0: i32, %arg1: i32, %arg2: memref<3200x100xi32, #tpu.memory_space<hbm>>, %arg3: memref<2048xf32, #tpu.memory_space<hbm>>, %arg4: memref<2x10240xf32, #tpu.memory_space<hbm>>, %arg5: memref<100x100xi32, #tpu.memory_space<vmem>>, %arg6: memref<112xf32, #tpu.memory_space<vmem>>, %arg7: memref<10240xf32, #tpu.memory_space<vmem_shared>>, %arg8: memref<!tpu.dma_semaphore, #tpu.memory_space<semaphore_mem>>) attributes {dimension_semantics = [#tpu.dimension_semantics<core_parallel>, #tpu.dimension_semantics<subcore_parallel>], iteration_bounds = array<i64: 2, 16>, scalar_prefetch = 0 : i64, scratch_operands = 4 : i64, tpu.core_type = #tpu.core_type<sc_vector_subcore>, window_params = [{transform_indices = #map}, {transform_indices = #map1}, {transform_indices = #map}]} {
    %mul3A = arith.constant 2 : i32
    %mul3A_0 = arith.muli %arg1, %mul3A : i32
    %add3A = arith.addi %mul3A_0, %arg0 : i32
    %broadcast_in_dim3A = arith.constant 1.000000e+00 : f32
    %broadcast_in_dim3A_1 = vector.broadcast %broadcast_in_dim3A : f32 to vector<16xf32>
    %swap3A = arith.constant 0 : index
    %swap3A_2 = tpu.vector_load %arg6[%swap3A] {strides = array<i32>} : memref<112xf32, #tpu.memory_space<vmem>>, vector<16xf32>,
    %swap3A_3 = vector.shape_cast %swap3A_2 : vector<16xf32> to vector<16xf32>
    %swap3A_4 = vector.shape_cast %broadcast_in_dim3A_1 : vector<16xf32> to vector<16xf32>
    tpu.vector_store %arg6[%swap3A], %swap3A_4 {strides = array<i32>} : memref<112xf32, #tpu.memory_space<vmem>>, vector<16xf32>,
    %broadcast_in_dim3A_5 = arith.constant 1.000000e+00 : f32
    %broadcast_in_dim3A_6 = vector.broadcast %broadcast_in_dim3A_5 : f32 to vector<16xf32>
    %swap3A_7 = arith.constant 16 : index
    %swap3A_8 = tpu.vector_load %arg6[%swap3A_7] {strides = array<i32>} : memref<112xf32, #tpu.memory_space<vmem>>, vector<16xf32>,
    %swap3A_9 = vector.shape_cast %swap3A_8 : vector<16xf32> to vector<16xf32>
    %swap3A_10 = vector.shape_cast %broadcast_in_dim3A_6 : vector<16xf32> to vector<16xf32>
    tpu.vector_store %arg6[%swap3A_7], %swap3A_10 {strides = array<i32>} : memref<112xf32, #tpu.memory_space<vmem>>, vector<16xf32>,
    %broadcast_in_dim3A_11 = arith.constant 1.000000e+00 : f32
    %broadcast_in_dim3A_12 = vector.broadcast %broadcast_in_dim3A_11 : f32 to vector<16xf32>
    %swap3A_13 = arith.constant 32 : index
    %swap3A_14 = tpu.vector_load %arg6[%swap3A_13] {strides = array<i32>} : memref<112xf32, #tpu.memory_space<vmem>>, vector<16xf32>,
    %swap3A_15 = vector.shape_cast %swap3A_14 : vector<16xf32> to vector<16xf32>
    %swap3A_16 = vector.shape_cast %broadcast_in_dim3A_12 : vector<16xf32> to vector<16xf32>
    tpu.vector_store %arg6[%swap3A_13], %swap3A_16 {strides = array<i32>} : memref<112xf32, #tpu.memory_space<vmem>>, vector<16xf32>,
    %broadcast_in_dim3A_17 = arith.constant 1.000000e+00 : f32
    %broadcast_in_dim3A_18 = vector.broadcast %broadcast_in_dim3A_17 : f32 to vector<16xf32>
    %swap3A_19 = arith.constant 48 : index
    %swap3A_20 = tpu.vector_load %arg6[%swap3A_19] {strides = array<i32>} : memref<112xf32, #tpu.memory_space<vmem>>, vector<16xf32>,
    %swap3A_21 = vector.shape_cast %swap3A_20 : vector<16xf32> to vector<16xf32>
    %swap3A_22 = vector.shape_cast %broadcast_in_dim3A_18 : vector<16xf32> to vector<16xf32>
    tpu.vector_store %arg6[%swap3A_19], %swap3A_22 {strides = array<i32>} : memref<112xf32, #tpu.memory_space<vmem>>, vector<16xf32>,
    %broadcast_in_dim3A_23 = arith.constant 1.000000e+00 : f32
    %broadcast_in_dim3A_24 = vector.broadcast %broadcast_in_dim3A_23 : f32 to vector<16xf32>
    %swap3A_25 = arith.constant 64 : index
    %swap3A_26 = tpu.vector_load %arg6[%swap3A_25] {strides = array<i32>} : memref<112xf32, #tpu.memory_space<vmem>>, vector<16xf32>,
    %swap3A_27 = vector.shape_cast %swap3A_26 : vector<16xf32> to vector<16xf32>
    %swap3A_28 = vector.shape_cast %broadcast_in_dim3A_24 : vector<16xf32> to vector<16xf32>
    tpu.vector_store %arg6[%swap3A_25], %swap3A_28 {strides = array<i32>} : memref<112xf32, #tpu.memory_space<vmem>>, vector<16xf32>,
    %broadcast_in_dim3A_29 = arith.constant 1.000000e+00 : f32
    %broadcast_in_dim3A_30 = vector.broadcast %broadcast_in_dim3A_29 : f32 to vector<16xf32>
    %swap3A_31 = arith.constant 80 : index
    %swap3A_32 = tpu.vector_load %arg6[%swap3A_31] {strides = array<i32>} : memref<112xf32, #tpu.memory_space<vmem>>, vector<16xf32>,
    %swap3A_33 = vector.shape_cast %swap3A_32 : vector<16xf32> to vector<16xf32>
    %swap3A_34 = vector.shape_cast %broadcast_in_dim3A_30 : vector<16xf32> to vector<16xf32>
    tpu.vector_store %arg6[%swap3A_31], %swap3A_34 {strides = array<i32>} : memref<112xf32, #tpu.memory_space<vmem>>, vector<16xf32>,
    %broadcast_in_dim3A_35 = arith.constant 1.000000e+00 : f32
    %broadcast_in_dim3A_36 = vector.broadcast %broadcast_in_dim3A_35 : f32 to vector<16xf32>
    %swap3A_37 = arith.constant 96 : index
    %swap3A_38 = tpu.vector_load %arg6[%swap3A_37] {strides = array<i32>} : memref<112xf32, #tpu.memory_space<vmem>>, vector<16xf32>,
    %swap3A_39 = vector.shape_cast %swap3A_38 : vector<16xf32> to vector<16xf32>
    %swap3A_40 = vector.shape_cast %broadcast_in_dim3A_36 : vector<16xf32> to vector<16xf32>
    tpu.vector_store %arg6[%swap3A_37], %swap3A_40 {strides = array<i32>} : memref<112xf32, #tpu.memory_space<vmem>>, vector<16xf32>,
    %mul3A_41 = arith.constant 100 : i32
    %mul3A_42 = arith.muli %add3A, %mul3A_41 : i32
    "tpu.region"() ({
      %run_scoped3A = tpu.sem_alloc : memref<!tpu.dma_semaphore, #tpu.memory_space<semaphore_mem>>
      %dma_start3A = arith.constant 0 : i32
      %dma_start3A_56 = tpu.memref_slice %arg2[%mul3A_42, %dma_start3A] : memref<3200x100xi32, #tpu.memory_space<hbm>> -> memref<100x100xi32, #tpu.memory_space<hbm>>
      %dma_start3A_57 = arith.constant 0 : i32
      %dma_start3A_58 = tpu.memref_slice %arg2[%mul3A_42, %dma_start3A_57] : memref<3200x100xi32, #tpu.memory_space<hbm>> -> memref<100x100xi32, #tpu.memory_space<hbm>>
      tpu.enqueue_dma source(%dma_start3A_58 : memref<100x100xi32, #tpu.memory_space<hbm>>) target(%arg5 : memref<100x100xi32, #tpu.memory_space<vmem>>) target_semaphore(%run_scoped3A : memref<!tpu.dma_semaphore, #tpu.memory_space<semaphore_mem>>)
      %dma_wait3A = arith.constant 0 : i32
      %dma_wait3A_59 = tpu.memref_slice %arg2[%mul3A_42, %dma_wait3A] : memref<3200x100xi32, #tpu.memory_space<hbm>> -> memref<100x100xi32, #tpu.memory_space<hbm>>
      %dma_wait3A_60 = arith.constant 0 : i32
      %dma_wait3A_61 = tpu.memref_slice %arg2[%mul3A_42, %dma_wait3A_60] : memref<3200x100xi32, #tpu.memory_space<hbm>> -> memref<100x100xi32, #tpu.memory_space<hbm>>
      tpu.wait_dma2 semaphore(%run_scoped3A : memref<!tpu.dma_semaphore, #tpu.memory_space<semaphore_mem>>) src(%dma_wait3A_61 : memref<100x100xi32, #tpu.memory_space<hbm>>) dst(%arg5 : memref<100x100xi32, #tpu.memory_space<vmem>>)
      tpu.yield
    }) : () -> ()
    %lt3A = arith.constant 5 : i32
    %lt3A_43 = arith.cmpi slt, %arg1, %lt3A : i32
    %convert_element_type3A = arith.extui %lt3A_43 : i1 to i32
    %cond3A = arith.constant 0 : i32
    %cond3A_44 = arith.cmpi ne, %convert_element_type3A, %cond3A : i32
    scf.if %cond3A_44 {
      %mul3A_56 = arith.constant 2048 : i32
      %mul3A_57 = arith.muli %arg1, %mul3A_56 : i32
      "tpu.region"() ({
        %run_scoped3A = tpu.sem_alloc : memref<!tpu.dma_semaphore, #tpu.memory_space<semaphore_mem>>
        %dma_start3A = tpu.memref_slice %arg7[%mul3A_57] : memref<10240xf32, #tpu.memory_space<vmem_shared>> -> memref<2048xf32, #tpu.memory_space<vmem_shared>>
        tpu.enqueue_dma source(%arg3 : memref<2048xf32, #tpu.memory_space<hbm>>) target(%dma_start3A : memref<2048xf32, #tpu.memory_space<vmem_shared>>) target_semaphore(%run_scoped3A : memref<!tpu.dma_semaphore, #tpu.memory_space<semaphore_mem>>)
        %dma_wait3A = tpu.memref_slice %arg7[%mul3A_57] : memref<10240xf32, #tpu.memory_space<vmem_shared>> -> memref<2048xf32, #tpu.memory_space<vmem_shared>>
        tpu.wait_dma2 semaphore(%run_scoped3A : memref<!tpu.dma_semaphore, #tpu.memory_space<semaphore_mem>>) src(%arg3 : memref<2048xf32, #tpu.memory_space<hbm>>) dst(%dma_wait3A : memref<2048xf32, #tpu.memory_space<vmem_shared>>)
        tpu.yield
      }) : () -> ()
    } else {
    }
    %barrier3A = arith.constant 0 : index
    tpu.barrier barrier_id(%barrier3A)
    %scan3A = arith.constant 0 : i32
    %scan3A_45 = arith.constant 0 : i32
    %scan3A_46 = arith.constant 100 : i32
    %scan3A_47 = arith.addi %scan3A_45, %scan3A_46 : i32
    %scan3A_48 = arith.constant 1 : i32
    scf.for %scan3A_56 = %scan3A_45 to %scan3A_47 step %scan3A_48  : i32 {
      "tpu.region"() ({
        %run_scoped3A = tpu.sem_alloc : memref<!tpu.dma_semaphore, #tpu.memory_space<semaphore_mem>>
        %dma_start3A = arith.constant 0 : i32
        %dma_start3A_57 = tpu.memref_slice %arg6[%dma_start3A] : memref<112xf32, #tpu.memory_space<vmem>> -> memref<100xf32, #tpu.memory_space<vmem>>
        %dma_start3A_58 = arith.constant 0 : i32
        %dma_start3A_59 = tpu.memref_slice %arg5[%scan3A_56, %dma_start3A_58] : memref<100x100xi32, #tpu.memory_space<vmem>> -> memref<1x100xi32, #tpu.memory_space<vmem>>
        %dma_start3A_60 = tpu.memref_squeeze %dma_start3A_59 : memref<1x100xi32, #tpu.memory_space<vmem>> -> memref<100xi32, #tpu.memory_space<vmem>>
        %dma_start3A_61 = arith.constant 0 : i32
        %dma_start3A_62 = tpu.memref_slice %arg7[%dma_start3A_61] : memref<10240xf32, #tpu.memory_space<vmem_shared>> -> memref<10240xf32, #tpu.memory_space<vmem_shared>>
        tpu.enqueue_indirect_dma source(%dma_start3A_57 : memref<100xf32, #tpu.memory_space<vmem>>) target(%dma_start3A_62 : memref<10240xf32, #tpu.memory_space<vmem_shared>>) offsets(%dma_start3A_60 : memref<100xi32, #tpu.memory_space<vmem>>) semaphore(%run_scoped3A : memref<!tpu.dma_semaphore, #tpu.memory_space<semaphore_mem>>) {add = true}
        %dma_wait3A = arith.constant 0 : i32
        %dma_wait3A_63 = tpu.memref_slice %arg6[%dma_wait3A] : memref<112xf32, #tpu.memory_space<vmem>> -> memref<100xf32, #tpu.memory_space<vmem>>
        %dma_wait3A_64 = arith.constant 0 : i32
        %dma_wait3A_65 = tpu.memref_slice %arg5[%scan3A_56, %dma_wait3A_64] : memref<100x100xi32, #tpu.memory_space<vmem>> -> memref<1x100xi32, #tpu.memory_space<vmem>>
        %dma_wait3A_66 = tpu.memref_squeeze %dma_wait3A_65 : memref<1x100xi32, #tpu.memory_space<vmem>> -> memref<100xi32, #tpu.memory_space<vmem>>
        %dma_wait3A_67 = arith.constant 0 : i32
        %dma_wait3A_68 = tpu.memref_slice %arg7[%dma_wait3A_67] : memref<10240xf32, #tpu.memory_space<vmem_shared>> -> memref<10240xf32, #tpu.memory_space<vmem_shared>>
        tpu.wait_indirect_dma semaphore(%run_scoped3A : memref<!tpu.dma_semaphore, #tpu.memory_space<semaphore_mem>>) src(%dma_wait3A_63 : memref<100xf32, #tpu.memory_space<vmem>>) dst(%dma_wait3A_68 : memref<10240xf32, #tpu.memory_space<vmem_shared>>)
        tpu.yield
      }) : () -> ()
    }
    %scan3A_49 = arith.constant 100 : i32
    %barrier3A_50 = arith.constant 0 : index
    tpu.barrier barrier_id(%barrier3A_50)
    %lt3A_51 = arith.constant 5 : i32
    %lt3A_52 = arith.cmpi slt, %arg1, %lt3A_51 : i32
    %convert_element_type3A_53 = arith.extui %lt3A_52 : i1 to i32
    %cond3A_54 = arith.constant 0 : i32
    %cond3A_55 = arith.cmpi ne, %convert_element_type3A_53, %cond3A_54 : i32
    scf.if %cond3A_55 {
      %mul3A_56 = arith.constant 2048 : i32
      %mul3A_57 = arith.muli %arg1, %mul3A_56 : i32
      %mul3A_58 = arith.constant 2048 : i32
      %mul3A_59 = arith.muli %arg1, %mul3A_58 : i32
      "tpu.region"() ({
        %run_scoped3A = tpu.sem_alloc : memref<!tpu.dma_semaphore, #tpu.memory_space<semaphore_mem>>
        %dma_start3A = tpu.memref_slice %arg4[%arg0, %mul3A_59] : memref<2x10240xf32, #tpu.memory_space<hbm>> -> memref<1x2048xf32, #tpu.memory_space<hbm>>
        %dma_start3A_60 = tpu.memref_squeeze %dma_start3A : memref<1x2048xf32, #tpu.memory_space<hbm>> -> memref<2048xf32, #tpu.memory_space<hbm>>
        %dma_start3A_61 = tpu.memref_slice %arg7[%mul3A_57] : memref<10240xf32, #tpu.memory_space<vmem_shared>> -> memref<2048xf32, #tpu.memory_space<vmem_shared>>
        tpu.enqueue_dma source(%dma_start3A_61 : memref<2048xf32, #tpu.memory_space<vmem_shared>>) target(%dma_start3A_60 : memref<2048xf32, #tpu.memory_space<hbm>>) target_semaphore(%run_scoped3A : memref<!tpu.dma_semaphore, #tpu.memory_space<semaphore_mem>>)
        %dma_wait3A = tpu.memref_slice %arg4[%arg0, %mul3A_59] : memref<2x10240xf32, #tpu.memory_space<hbm>> -> memref<1x2048xf32, #tpu.memory_space<hbm>>
        %dma_wait3A_62 = tpu.memref_squeeze %dma_wait3A : memref<1x2048xf32, #tpu.memory_space<hbm>> -> memref<2048xf32, #tpu.memory_space<hbm>>
        %dma_wait3A_63 = tpu.memref_slice %arg7[%mul3A_57] : memref<10240xf32, #tpu.memory_space<vmem_shared>> -> memref<2048xf32, #tpu.memory_space<vmem_shared>>
        tpu.wait_dma2 semaphore(%run_scoped3A : memref<!tpu.dma_semaphore, #tpu.memory_space<semaphore_mem>>) src(%dma_wait3A_63 : memref<2048xf32, #tpu.memory_space<vmem_shared>>) dst(%dma_wait3A_62 : memref<2048xf32, #tpu.memory_space<hbm>>)
        tpu.yield
      }) : () -> ()
    } else {
    }
    return
  }
}

#map = affine_map<(d0, d1) -> (0, 0)>
#map1 = affine_map<(d0, d1) -> (0, 0, 0)>
module attributes {stable_mosaic.version = 14 : i64} {
  func.func @agg_kernel(%arg0: i32, %arg1: i32, %arg2: memref<10240x128xbf16, #tpu.memory_space<hbm>>, %arg3: memref<3200x100xi32, #tpu.memory_space<hbm>>, %arg4: memref<3200x100xi32, #tpu.memory_space<hbm>>, %arg5: memref<640x128xbf16, #tpu.memory_space<hbm>>, %arg6: memref<2x10240x128xbf16, #tpu.memory_space<hbm>>, %arg7: memref<10240x128xbf16, #tpu.memory_space<vmem_shared>>, %arg8: memref<100x100xi32, #tpu.memory_space<vmem>>, %arg9: memref<100x100xi32, #tpu.memory_space<vmem>>, %arg10: memref<100x128xbf16, #tpu.memory_space<vmem>>, %arg11: memref<100x128xbf16, #tpu.memory_space<vmem>>, %arg12: memref<100x128xbf16, #tpu.memory_space<vmem>>, %arg13: memref<100x128xbf16, #tpu.memory_space<vmem>>, %arg14: memref<4x!tpu.dma_semaphore, #tpu.memory_space<semaphore_mem>>, %arg15: memref<4x!tpu.dma_semaphore, #tpu.memory_space<semaphore_mem>>) attributes {dimension_semantics = [#tpu.dimension_semantics<core_parallel>, #tpu.dimension_semantics<subcore_parallel>], iteration_bounds = array<i64: 2, 16>, scalar_prefetch = 0 : i64, scratch_operands = 9 : i64, tpu.core_type = #tpu.core_type<sc_vector_subcore>, window_params = [{transform_indices = #map}, {transform_indices = #map}, {transform_indices = #map}, {transform_indices = #map}, {transform_indices = #map1}]} {
    %mul3A = arith.constant 2 : i32
    %mul3A_0 = arith.muli %arg1, %mul3A : i32
    %add3A = arith.addi %mul3A_0, %arg0 : i32
    %mul3A_1 = arith.constant 100 : i32
    %mul3A_2 = arith.muli %add3A, %mul3A_1 : i32
    "tpu.region"() ({
      %run_scoped3A = tpu.sem_alloc : memref<!tpu.dma_semaphore, #tpu.memory_space<semaphore_mem>>
      %dma_start3A_95 = arith.constant 0 : i32
      %dma_start3A_96 = tpu.memref_slice %arg3[%mul3A_2, %dma_start3A_95] : memref<3200x100xi32, #tpu.memory_space<hbm>> -> memref<100x100xi32, #tpu.memory_space<hbm>>
      %dma_start3A_97 = arith.constant 0 : i32
      %dma_start3A_98 = tpu.memref_slice %arg3[%mul3A_2, %dma_start3A_97] : memref<3200x100xi32, #tpu.memory_space<hbm>> -> memref<100x100xi32, #tpu.memory_space<hbm>>
      tpu.enqueue_dma source(%dma_start3A_98 : memref<100x100xi32, #tpu.memory_space<hbm>>) target(%arg8 : memref<100x100xi32, #tpu.memory_space<vmem>>) target_semaphore(%run_scoped3A : memref<!tpu.dma_semaphore, #tpu.memory_space<semaphore_mem>>)
      %dma_wait3A_99 = arith.constant 0 : i32
      %dma_wait3A_100 = tpu.memref_slice %arg3[%mul3A_2, %dma_wait3A_99] : memref<3200x100xi32, #tpu.memory_space<hbm>> -> memref<100x100xi32, #tpu.memory_space<hbm>>
      %dma_wait3A_101 = arith.constant 0 : i32
      %dma_wait3A_102 = tpu.memref_slice %arg3[%mul3A_2, %dma_wait3A_101] : memref<3200x100xi32, #tpu.memory_space<hbm>> -> memref<100x100xi32, #tpu.memory_space<hbm>>
      tpu.wait_dma2 semaphore(%run_scoped3A : memref<!tpu.dma_semaphore, #tpu.memory_space<semaphore_mem>>) src(%dma_wait3A_102 : memref<100x100xi32, #tpu.memory_space<hbm>>) dst(%arg8 : memref<100x100xi32, #tpu.memory_space<vmem>>)
      tpu.yield
    }) : () -> ()
    %mul3A_3 = arith.constant 100 : i32
    %mul3A_4 = arith.muli %add3A, %mul3A_3 : i32
    "tpu.region"() ({
      %run_scoped3A = tpu.sem_alloc : memref<!tpu.dma_semaphore, #tpu.memory_space<semaphore_mem>>
      %dma_start3A_95 = arith.constant 0 : i32
      %dma_start3A_96 = tpu.memref_slice %arg4[%mul3A_4, %dma_start3A_95] : memref<3200x100xi32, #tpu.memory_space<hbm>> -> memref<100x100xi32, #tpu.memory_space<hbm>>
      %dma_start3A_97 = arith.constant 0 : i32
      %dma_start3A_98 = tpu.memref_slice %arg4[%mul3A_4, %dma_start3A_97] : memref<3200x100xi32, #tpu.memory_space<hbm>> -> memref<100x100xi32, #tpu.memory_space<hbm>>
      tpu.enqueue_dma source(%dma_start3A_98 : memref<100x100xi32, #tpu.memory_space<hbm>>) target(%arg9 : memref<100x100xi32, #tpu.memory_space<vmem>>) target_semaphore(%run_scoped3A : memref<!tpu.dma_semaphore, #tpu.memory_space<semaphore_mem>>)
      %dma_wait3A_99 = arith.constant 0 : i32
      %dma_wait3A_100 = tpu.memref_slice %arg4[%mul3A_4, %dma_wait3A_99] : memref<3200x100xi32, #tpu.memory_space<hbm>> -> memref<100x100xi32, #tpu.memory_space<hbm>>
      %dma_wait3A_101 = arith.constant 0 : i32
      %dma_wait3A_102 = tpu.memref_slice %arg4[%mul3A_4, %dma_wait3A_101] : memref<3200x100xi32, #tpu.memory_space<hbm>> -> memref<100x100xi32, #tpu.memory_space<hbm>>
      tpu.wait_dma2 semaphore(%run_scoped3A : memref<!tpu.dma_semaphore, #tpu.memory_space<semaphore_mem>>) src(%dma_wait3A_102 : memref<100x100xi32, #tpu.memory_space<hbm>>) dst(%arg9 : memref<100x100xi32, #tpu.memory_space<vmem>>)
      tpu.yield
    }) : () -> ()
    %mul3A_5 = arith.constant 640 : i32
    %mul3A_6 = arith.muli %arg1, %mul3A_5 : i32
    "tpu.region"() ({
      %run_scoped3A = tpu.sem_alloc : memref<!tpu.dma_semaphore, #tpu.memory_space<semaphore_mem>>
      %dma_start3A_95 = arith.constant 0 : i32
      %dma_start3A_96 = tpu.memref_slice %arg7[%mul3A_6, %dma_start3A_95] : memref<10240x128xbf16, #tpu.memory_space<vmem_shared>> -> memref<640x128xbf16, #tpu.memory_space<vmem_shared>>
      tpu.enqueue_dma source(%arg5 : memref<640x128xbf16, #tpu.memory_space<hbm>>) target(%dma_start3A_96 : memref<640x128xbf16, #tpu.memory_space<vmem_shared>>) target_semaphore(%run_scoped3A : memref<!tpu.dma_semaphore, #tpu.memory_space<semaphore_mem>>)
      %dma_wait3A_97 = arith.constant 0 : i32
      %dma_wait3A_98 = tpu.memref_slice %arg7[%mul3A_6, %dma_wait3A_97] : memref<10240x128xbf16, #tpu.memory_space<vmem_shared>> -> memref<640x128xbf16, #tpu.memory_space<vmem_shared>>
      tpu.wait_dma2 semaphore(%run_scoped3A : memref<!tpu.dma_semaphore, #tpu.memory_space<semaphore_mem>>) src(%arg5 : memref<640x128xbf16, #tpu.memory_space<hbm>>) dst(%dma_wait3A_98 : memref<640x128xbf16, #tpu.memory_space<vmem_shared>>)
      tpu.yield
    }) : () -> ()
    %barrier3A = arith.constant 0 : index
    tpu.barrier barrier_id(%barrier3A)
    %dma_start3A = arith.constant 0 : i32
    %dma_start3A_7 = arith.constant 0 : i32
    %dma_start3A_8 = arith.constant 0 : i32
    %dma_start3A_9 = tpu.memref_slice %arg8[%dma_start3A, %dma_start3A_8] : memref<100x100xi32, #tpu.memory_space<vmem>> -> memref<1x100xi32, #tpu.memory_space<vmem>>
    %dma_start3A_10 = tpu.memref_squeeze %dma_start3A_9 : memref<1x100xi32, #tpu.memory_space<vmem>> -> memref<100xi32, #tpu.memory_space<vmem>>
    %dma_start3A_11 = arith.constant 0 : i32
    %dma_start3A_12 = arith.constant 0 : i32
    %dma_start3A_13 = tpu.memref_slice %arg2[%dma_start3A_11, %dma_start3A_12] : memref<10240x128xbf16, #tpu.memory_space<hbm>> -> memref<10240x128xbf16, #tpu.memory_space<hbm>>
    %dma_start3A_14 = tpu.memref_slice %arg14[%dma_start3A_7] : memref<4x!tpu.dma_semaphore, #tpu.memory_space<semaphore_mem>> -> memref<1x!tpu.dma_semaphore, #tpu.memory_space<semaphore_mem>>
    %dma_start3A_15 = tpu.memref_squeeze %dma_start3A_14 : memref<1x!tpu.dma_semaphore, #tpu.memory_space<semaphore_mem>> -> memref<!tpu.dma_semaphore, #tpu.memory_space<semaphore_mem>>
    tpu.enqueue_indirect_dma source(%dma_start3A_13 : memref<10240x128xbf16, #tpu.memory_space<hbm>>) target(%arg10 : memref<100x128xbf16, #tpu.memory_space<vmem>>) offsets(%dma_start3A_10 : memref<100xi32, #tpu.memory_space<vmem>>) semaphore(%dma_start3A_15 : memref<!tpu.dma_semaphore, #tpu.memory_space<semaphore_mem>>)
    %dma_start3A_16 = arith.constant 1 : i32
    %dma_start3A_17 = arith.constant 1 : i32
    %dma_start3A_18 = arith.constant 0 : i32
    %dma_start3A_19 = tpu.memref_slice %arg8[%dma_start3A_16, %dma_start3A_18] : memref<100x100xi32, #tpu.memory_space<vmem>> -> memref<1x100xi32, #tpu.memory_space<vmem>>
    %dma_start3A_20 = tpu.memref_squeeze %dma_start3A_19 : memref<1x100xi32, #tpu.memory_space<vmem>> -> memref<100xi32, #tpu.memory_space<vmem>>
    %dma_start3A_21 = arith.constant 0 : i32
    %dma_start3A_22 = arith.constant 0 : i32
    %dma_start3A_23 = tpu.memref_slice %arg2[%dma_start3A_21, %dma_start3A_22] : memref<10240x128xbf16, #tpu.memory_space<hbm>> -> memref<10240x128xbf16, #tpu.memory_space<hbm>>
    %dma_start3A_24 = tpu.memref_slice %arg14[%dma_start3A_17] : memref<4x!tpu.dma_semaphore, #tpu.memory_space<semaphore_mem>> -> memref<1x!tpu.dma_semaphore, #tpu.memory_space<semaphore_mem>>
    %dma_start3A_25 = tpu.memref_squeeze %dma_start3A_24 : memref<1x!tpu.dma_semaphore, #tpu.memory_space<semaphore_mem>> -> memref<!tpu.dma_semaphore, #tpu.memory_space<semaphore_mem>>
    tpu.enqueue_indirect_dma source(%dma_start3A_23 : memref<10240x128xbf16, #tpu.memory_space<hbm>>) target(%arg11 : memref<100x128xbf16, #tpu.memory_space<vmem>>) offsets(%dma_start3A_20 : memref<100xi32, #tpu.memory_space<vmem>>) semaphore(%dma_start3A_25 : memref<!tpu.dma_semaphore, #tpu.memory_space<semaphore_mem>>)
    %dma_start3A_26 = arith.constant 2 : i32
    %dma_start3A_27 = arith.constant 2 : i32
    %dma_start3A_28 = arith.constant 0 : i32
    %dma_start3A_29 = tpu.memref_slice %arg8[%dma_start3A_26, %dma_start3A_28] : memref<100x100xi32, #tpu.memory_space<vmem>> -> memref<1x100xi32, #tpu.memory_space<vmem>>
    %dma_start3A_30 = tpu.memref_squeeze %dma_start3A_29 : memref<1x100xi32, #tpu.memory_space<vmem>> -> memref<100xi32, #tpu.memory_space<vmem>>
    %dma_start3A_31 = arith.constant 0 : i32
    %dma_start3A_32 = arith.constant 0 : i32
    %dma_start3A_33 = tpu.memref_slice %arg2[%dma_start3A_31, %dma_start3A_32] : memref<10240x128xbf16, #tpu.memory_space<hbm>> -> memref<10240x128xbf16, #tpu.memory_space<hbm>>
    %dma_start3A_34 = tpu.memref_slice %arg14[%dma_start3A_27] : memref<4x!tpu.dma_semaphore, #tpu.memory_space<semaphore_mem>> -> memref<1x!tpu.dma_semaphore, #tpu.memory_space<semaphore_mem>>
    %dma_start3A_35 = tpu.memref_squeeze %dma_start3A_34 : memref<1x!tpu.dma_semaphore, #tpu.memory_space<semaphore_mem>> -> memref<!tpu.dma_semaphore, #tpu.memory_space<semaphore_mem>>
    tpu.enqueue_indirect_dma source(%dma_start3A_33 : memref<10240x128xbf16, #tpu.memory_space<hbm>>) target(%arg12 : memref<100x128xbf16, #tpu.memory_space<vmem>>) offsets(%dma_start3A_30 : memref<100xi32, #tpu.memory_space<vmem>>) semaphore(%dma_start3A_35 : memref<!tpu.dma_semaphore, #tpu.memory_space<semaphore_mem>>)
    %dma_start3A_36 = arith.constant 3 : i32
    %dma_start3A_37 = arith.constant 3 : i32
    %dma_start3A_38 = arith.constant 0 : i32
    %dma_start3A_39 = tpu.memref_slice %arg8[%dma_start3A_36, %dma_start3A_38] : memref<100x100xi32, #tpu.memory_space<vmem>> -> memref<1x100xi32, #tpu.memory_space<vmem>>
    %dma_start3A_40 = tpu.memref_squeeze %dma_start3A_39 : memref<1x100xi32, #tpu.memory_space<vmem>> -> memref<100xi32, #tpu.memory_space<vmem>>
    %dma_start3A_41 = arith.constant 0 : i32
    %dma_start3A_42 = arith.constant 0 : i32
    %dma_start3A_43 = tpu.memref_slice %arg2[%dma_start3A_41, %dma_start3A_42] : memref<10240x128xbf16, #tpu.memory_space<hbm>> -> memref<10240x128xbf16, #tpu.memory_space<hbm>>
    %dma_start3A_44 = tpu.memref_slice %arg14[%dma_start3A_37] : memref<4x!tpu.dma_semaphore, #tpu.memory_space<semaphore_mem>> -> memref<1x!tpu.dma_semaphore, #tpu.memory_space<semaphore_mem>>
    %dma_start3A_45 = tpu.memref_squeeze %dma_start3A_44 : memref<1x!tpu.dma_semaphore, #tpu.memory_space<semaphore_mem>> -> memref<!tpu.dma_semaphore, #tpu.memory_space<semaphore_mem>>
    tpu.enqueue_indirect_dma source(%dma_start3A_43 : memref<10240x128xbf16, #tpu.memory_space<hbm>>) target(%arg13 : memref<100x128xbf16, #tpu.memory_space<vmem>>) offsets(%dma_start3A_40 : memref<100xi32, #tpu.memory_space<vmem>>) semaphore(%dma_start3A_45 : memref<!tpu.dma_semaphore, #tpu.memory_space<semaphore_mem>>)
    %scan3A = arith.constant 0 : i32
    %scan3A_46 = arith.constant 0 : i32
    %scan3A_47 = arith.constant 25 : i32
    %scan3A_48 = arith.addi %scan3A_46, %scan3A_47 : i32
    %scan3A_49 = arith.constant 1 : i32
    scf.for %scan3A_95 = %scan3A_46 to %scan3A_48 step %scan3A_49  : i32 {
      %mul3A_96 = arith.constant 4 : i32
      %mul3A_97 = arith.muli %scan3A_95, %mul3A_96 : i32
      %add3A_98 = arith.constant 0 : i32
      %add3A_99 = arith.addi %mul3A_97, %add3A_98 : i32
      %dma_wait3A_100 = arith.constant 0 : i32
      %dma_wait3A_101 = arith.constant 0 : i32
      %dma_wait3A_102 = tpu.memref_slice %arg8[%add3A_99, %dma_wait3A_101] : memref<100x100xi32, #tpu.memory_space<vmem>> -> memref<1x100xi32, #tpu.memory_space<vmem>>
      %dma_wait3A_103 = tpu.memref_squeeze %dma_wait3A_102 : memref<1x100xi32, #tpu.memory_space<vmem>> -> memref<100xi32, #tpu.memory_space<vmem>>
      %dma_wait3A_104 = arith.constant 0 : i32
      %dma_wait3A_105 = arith.constant 0 : i32
      %dma_wait3A_106 = tpu.memref_slice %arg2[%dma_wait3A_104, %dma_wait3A_105] : memref<10240x128xbf16, #tpu.memory_space<hbm>> -> memref<10240x128xbf16, #tpu.memory_space<hbm>>
      %dma_wait3A_107 = tpu.memref_slice %arg14[%dma_wait3A_100] : memref<4x!tpu.dma_semaphore, #tpu.memory_space<semaphore_mem>> -> memref<1x!tpu.dma_semaphore, #tpu.memory_space<semaphore_mem>>
      %dma_wait3A_108 = tpu.memref_squeeze %dma_wait3A_107 : memref<1x!tpu.dma_semaphore, #tpu.memory_space<semaphore_mem>> -> memref<!tpu.dma_semaphore, #tpu.memory_space<semaphore_mem>>
      tpu.wait_indirect_dma semaphore(%dma_wait3A_108 : memref<!tpu.dma_semaphore, #tpu.memory_space<semaphore_mem>>) src(%dma_wait3A_106 : memref<10240x128xbf16, #tpu.memory_space<hbm>>) dst(%arg10 : memref<100x128xbf16, #tpu.memory_space<vmem>>)
      %dma_start3A_109 = arith.constant 0 : i32
      %dma_start3A_110 = arith.constant 0 : i32
      %dma_start3A_111 = tpu.memref_slice %arg9[%add3A_99, %dma_start3A_110] : memref<100x100xi32, #tpu.memory_space<vmem>> -> memref<1x100xi32, #tpu.memory_space<vmem>>
      %dma_start3A_112 = tpu.memref_squeeze %dma_start3A_111 : memref<1x100xi32, #tpu.memory_space<vmem>> -> memref<100xi32, #tpu.memory_space<vmem>>
      %dma_start3A_113 = arith.constant 0 : i32
      %dma_start3A_114 = arith.constant 0 : i32
      %dma_start3A_115 = tpu.memref_slice %arg7[%dma_start3A_113, %dma_start3A_114] : memref<10240x128xbf16, #tpu.memory_space<vmem_shared>> -> memref<10240x128xbf16, #tpu.memory_space<vmem_shared>>
      %dma_start3A_116 = tpu.memref_slice %arg15[%dma_start3A_109] : memref<4x!tpu.dma_semaphore, #tpu.memory_space<semaphore_mem>> -> memref<1x!tpu.dma_semaphore, #tpu.memory_space<semaphore_mem>>
      %dma_start3A_117 = tpu.memref_squeeze %dma_start3A_116 : memref<1x!tpu.dma_semaphore, #tpu.memory_space<semaphore_mem>> -> memref<!tpu.dma_semaphore, #tpu.memory_space<semaphore_mem>>
      tpu.enqueue_indirect_dma source(%arg10 : memref<100x128xbf16, #tpu.memory_space<vmem>>) target(%dma_start3A_115 : memref<10240x128xbf16, #tpu.memory_space<vmem_shared>>) offsets(%dma_start3A_112 : memref<100xi32, #tpu.memory_space<vmem>>) semaphore(%dma_start3A_117 : memref<!tpu.dma_semaphore, #tpu.memory_space<semaphore_mem>>) {add = true}
      %ge3A = arith.constant 2 : i32
      %ge3A_118 = arith.cmpi sge, %add3A_99, %ge3A : i32
      %add3A_119 = arith.constant 4 : i32
      %add3A_120 = arith.addi %add3A_99, %add3A_119 : i32
      %sub3A = arith.constant 2 : i32
      %sub3A_121 = arith.subi %add3A_120, %sub3A : i32
      %lt3A = arith.constant 100 : i32
      %lt3A_122 = arith.cmpi slt, %sub3A_121, %lt3A : i32
      %and3A = arith.andi %ge3A_118, %lt3A_122 : i1
      %convert_element_type3A = arith.extui %and3A : i1 to i32
      %cond3A = arith.constant 0 : i32
      %cond3A_123 = arith.cmpi ne, %convert_element_type3A, %cond3A : i32
      scf.if %cond3A_123 {
        %sub3A_226 = arith.constant 2 : i32
        %sub3A_227 = arith.subi %add3A_99, %sub3A_226 : i32
        %dma_wait3A_228 = arith.constant 2 : i32
        %dma_wait3A_229 = arith.constant 0 : i32
        %dma_wait3A_230 = tpu.memref_slice %arg9[%sub3A_227, %dma_wait3A_229] : memref<100x100xi32, #tpu.memory_space<vmem>> -> memref<1x100xi32, #tpu.memory_space<vmem>>
        %dma_wait3A_231 = tpu.memref_squeeze %dma_wait3A_230 : memref<1x100xi32, #tpu.memory_space<vmem>> -> memref<100xi32, #tpu.memory_space<vmem>>
        %dma_wait3A_232 = arith.constant 0 : i32
        %dma_wait3A_233 = arith.constant 0 : i32
        %dma_wait3A_234 = tpu.memref_slice %arg7[%dma_wait3A_232, %dma_wait3A_233] : memref<10240x128xbf16, #tpu.memory_space<vmem_shared>> -> memref<10240x128xbf16, #tpu.memory_space<vmem_shared>>
        %dma_wait3A_235 = tpu.memref_slice %arg15[%dma_wait3A_228] : memref<4x!tpu.dma_semaphore, #tpu.memory_space<semaphore_mem>> -> memref<1x!tpu.dma_semaphore, #tpu.memory_space<semaphore_mem>>
        %dma_wait3A_236 = tpu.memref_squeeze %dma_wait3A_235 : memref<1x!tpu.dma_semaphore, #tpu.memory_space<semaphore_mem>> -> memref<!tpu.dma_semaphore, #tpu.memory_space<semaphore_mem>>
        tpu.wait_indirect_dma semaphore(%dma_wait3A_236 : memref<!tpu.dma_semaphore, #tpu.memory_space<semaphore_mem>>) src(%arg12 : memref<100x128xbf16, #tpu.memory_space<vmem>>) dst(%dma_wait3A_234 : memref<10240x128xbf16, #tpu.memory_space<vmem_shared>>)
        %add3A_237 = arith.constant 4 : i32
        %add3A_238 = arith.addi %add3A_99, %add3A_237 : i32
        %sub3A_239 = arith.constant 2 : i32
        %sub3A_240 = arith.subi %add3A_238, %sub3A_239 : i32
        %dma_start3A_241 = arith.constant 2 : i32
        %dma_start3A_242 = arith.constant 0 : i32
        %dma_start3A_243 = tpu.memref_slice %arg8[%sub3A_240, %dma_start3A_242] : memref<100x100xi32, #tpu.memory_space<vmem>> -> memref<1x100xi32, #tpu.memory_space<vmem>>
        %dma_start3A_244 = tpu.memref_squeeze %dma_start3A_243 : memref<1x100xi32, #tpu.memory_space<vmem>> -> memref<100xi32, #tpu.memory_space<vmem>>
        %dma_start3A_245 = arith.constant 0 : i32
        %dma_start3A_246 = arith.constant 0 : i32
        %dma_start3A_247 = tpu.memref_slice %arg2[%dma_start3A_245, %dma_start3A_246] : memref<10240x128xbf16, #tpu.memory_space<hbm>> -> memref<10240x128xbf16, #tpu.memory_space<hbm>>
        %dma_start3A_248 = tpu.memref_slice %arg14[%dma_start3A_241] : memref<4x!tpu.dma_semaphore, #tpu.memory_space<semaphore_mem>> -> memref<1x!tpu.dma_semaphore, #tpu.memory_space<semaphore_mem>>
        %dma_start3A_249 = tpu.memref_squeeze %dma_start3A_248 : memref<1x!tpu.dma_semaphore, #tpu.memory_space<semaphore_mem>> -> memref<!tpu.dma_semaphore, #tpu.memory_space<semaphore_mem>>
        tpu.enqueue_indirect_dma source(%dma_start3A_247 : memref<10240x128xbf16, #tpu.memory_space<hbm>>) target(%arg12 : memref<100x128xbf16, #tpu.memory_space<vmem>>) offsets(%dma_start3A_244 : memref<100xi32, #tpu.memory_space<vmem>>) semaphore(%dma_start3A_249 : memref<!tpu.dma_semaphore, #tpu.memory_space<semaphore_mem>>)
      } else {
      }
      %mul3A_124 = arith.constant 4 : i32
      %mul3A_125 = arith.muli %scan3A_95, %mul3A_124 : i32
      %add3A_126 = arith.constant 1 : i32
      %add3A_127 = arith.addi %mul3A_125, %add3A_126 : i32
      %dma_wait3A_128 = arith.constant 1 : i32
      %dma_wait3A_129 = arith.constant 0 : i32
      %dma_wait3A_130 = tpu.memref_slice %arg8[%add3A_127, %dma_wait3A_129] : memref<100x100xi32, #tpu.memory_space<vmem>> -> memref<1x100xi32, #tpu.memory_space<vmem>>
      %dma_wait3A_131 = tpu.memref_squeeze %dma_wait3A_130 : memref<1x100xi32, #tpu.memory_space<vmem>> -> memref<100xi32, #tpu.memory_space<vmem>>
      %dma_wait3A_132 = arith.constant 0 : i32
      %dma_wait3A_133 = arith.constant 0 : i32
      %dma_wait3A_134 = tpu.memref_slice %arg2[%dma_wait3A_132, %dma_wait3A_133] : memref<10240x128xbf16, #tpu.memory_space<hbm>> -> memref<10240x128xbf16, #tpu.memory_space<hbm>>
      %dma_wait3A_135 = tpu.memref_slice %arg14[%dma_wait3A_128] : memref<4x!tpu.dma_semaphore, #tpu.memory_space<semaphore_mem>> -> memref<1x!tpu.dma_semaphore, #tpu.memory_space<semaphore_mem>>
      %dma_wait3A_136 = tpu.memref_squeeze %dma_wait3A_135 : memref<1x!tpu.dma_semaphore, #tpu.memory_space<semaphore_mem>> -> memref<!tpu.dma_semaphore, #tpu.memory_space<semaphore_mem>>
      tpu.wait_indirect_dma semaphore(%dma_wait3A_136 : memref<!tpu.dma_semaphore, #tpu.memory_space<semaphore_mem>>) src(%dma_wait3A_134 : memref<10240x128xbf16, #tpu.memory_space<hbm>>) dst(%arg11 : memref<100x128xbf16, #tpu.memory_space<vmem>>)
      %dma_start3A_137 = arith.constant 1 : i32
      %dma_start3A_138 = arith.constant 0 : i32
      %dma_start3A_139 = tpu.memref_slice %arg9[%add3A_127, %dma_start3A_138] : memref<100x100xi32, #tpu.memory_space<vmem>> -> memref<1x100xi32, #tpu.memory_space<vmem>>
      %dma_start3A_140 = tpu.memref_squeeze %dma_start3A_139 : memref<1x100xi32, #tpu.memory_space<vmem>> -> memref<100xi32, #tpu.memory_space<vmem>>
      %dma_start3A_141 = arith.constant 0 : i32
      %dma_start3A_142 = arith.constant 0 : i32
      %dma_start3A_143 = tpu.memref_slice %arg7[%dma_start3A_141, %dma_start3A_142] : memref<10240x128xbf16, #tpu.memory_space<vmem_shared>> -> memref<10240x128xbf16, #tpu.memory_space<vmem_shared>>
      %dma_start3A_144 = tpu.memref_slice %arg15[%dma_start3A_137] : memref<4x!tpu.dma_semaphore, #tpu.memory_space<semaphore_mem>> -> memref<1x!tpu.dma_semaphore, #tpu.memory_space<semaphore_mem>>
      %dma_start3A_145 = tpu.memref_squeeze %dma_start3A_144 : memref<1x!tpu.dma_semaphore, #tpu.memory_space<semaphore_mem>> -> memref<!tpu.dma_semaphore, #tpu.memory_space<semaphore_mem>>
      tpu.enqueue_indirect_dma source(%arg11 : memref<100x128xbf16, #tpu.memory_space<vmem>>) target(%dma_start3A_143 : memref<10240x128xbf16, #tpu.memory_space<vmem_shared>>) offsets(%dma_start3A_140 : memref<100xi32, #tpu.memory_space<vmem>>) semaphore(%dma_start3A_145 : memref<!tpu.dma_semaphore, #tpu.memory_space<semaphore_mem>>) {add = true}
      %ge3A_146 = arith.constant 2 : i32
      %ge3A_147 = arith.cmpi sge, %add3A_127, %ge3A_146 : i32
      %add3A_148 = arith.constant 4 : i32
      %add3A_149 = arith.addi %add3A_127, %add3A_148 : i32
      %sub3A_150 = arith.constant 2 : i32
      %sub3A_151 = arith.subi %add3A_149, %sub3A_150 : i32
      %lt3A_152 = arith.constant 100 : i32
      %lt3A_153 = arith.cmpi slt, %sub3A_151, %lt3A_152 : i32
      %and3A_154 = arith.andi %ge3A_147, %lt3A_153 : i1
      %convert_element_type3A_155 = arith.extui %and3A_154 : i1 to i32
      %cond3A_156 = arith.constant 0 : i32
      %cond3A_157 = arith.cmpi ne, %convert_element_type3A_155, %cond3A_156 : i32
      scf.if %cond3A_157 {
        %sub3A_226 = arith.constant 2 : i32
        %sub3A_227 = arith.subi %add3A_127, %sub3A_226 : i32
        %dma_wait3A_228 = arith.constant 3 : i32
        %dma_wait3A_229 = arith.constant 0 : i32
        %dma_wait3A_230 = tpu.memref_slice %arg9[%sub3A_227, %dma_wait3A_229] : memref<100x100xi32, #tpu.memory_space<vmem>> -> memref<1x100xi32, #tpu.memory_space<vmem>>
        %dma_wait3A_231 = tpu.memref_squeeze %dma_wait3A_230 : memref<1x100xi32, #tpu.memory_space<vmem>> -> memref<100xi32, #tpu.memory_space<vmem>>
        %dma_wait3A_232 = arith.constant 0 : i32
        %dma_wait3A_233 = arith.constant 0 : i32
        %dma_wait3A_234 = tpu.memref_slice %arg7[%dma_wait3A_232, %dma_wait3A_233] : memref<10240x128xbf16, #tpu.memory_space<vmem_shared>> -> memref<10240x128xbf16, #tpu.memory_space<vmem_shared>>
        %dma_wait3A_235 = tpu.memref_slice %arg15[%dma_wait3A_228] : memref<4x!tpu.dma_semaphore, #tpu.memory_space<semaphore_mem>> -> memref<1x!tpu.dma_semaphore, #tpu.memory_space<semaphore_mem>>
        %dma_wait3A_236 = tpu.memref_squeeze %dma_wait3A_235 : memref<1x!tpu.dma_semaphore, #tpu.memory_space<semaphore_mem>> -> memref<!tpu.dma_semaphore, #tpu.memory_space<semaphore_mem>>
        tpu.wait_indirect_dma semaphore(%dma_wait3A_236 : memref<!tpu.dma_semaphore, #tpu.memory_space<semaphore_mem>>) src(%arg13 : memref<100x128xbf16, #tpu.memory_space<vmem>>) dst(%dma_wait3A_234 : memref<10240x128xbf16, #tpu.memory_space<vmem_shared>>)
        %add3A_237 = arith.constant 4 : i32
        %add3A_238 = arith.addi %add3A_127, %add3A_237 : i32
        %sub3A_239 = arith.constant 2 : i32
        %sub3A_240 = arith.subi %add3A_238, %sub3A_239 : i32
        %dma_start3A_241 = arith.constant 3 : i32
        %dma_start3A_242 = arith.constant 0 : i32
        %dma_start3A_243 = tpu.memref_slice %arg8[%sub3A_240, %dma_start3A_242] : memref<100x100xi32, #tpu.memory_space<vmem>> -> memref<1x100xi32, #tpu.memory_space<vmem>>
        %dma_start3A_244 = tpu.memref_squeeze %dma_start3A_243 : memref<1x100xi32, #tpu.memory_space<vmem>> -> memref<100xi32, #tpu.memory_space<vmem>>
        %dma_start3A_245 = arith.constant 0 : i32
        %dma_start3A_246 = arith.constant 0 : i32
        %dma_start3A_247 = tpu.memref_slice %arg2[%dma_start3A_245, %dma_start3A_246] : memref<10240x128xbf16, #tpu.memory_space<hbm>> -> memref<10240x128xbf16, #tpu.memory_space<hbm>>
        %dma_start3A_248 = tpu.memref_slice %arg14[%dma_start3A_241] : memref<4x!tpu.dma_semaphore, #tpu.memory_space<semaphore_mem>> -> memref<1x!tpu.dma_semaphore, #tpu.memory_space<semaphore_mem>>
        %dma_start3A_249 = tpu.memref_squeeze %dma_start3A_248 : memref<1x!tpu.dma_semaphore, #tpu.memory_space<semaphore_mem>> -> memref<!tpu.dma_semaphore, #tpu.memory_space<semaphore_mem>>
        tpu.enqueue_indirect_dma source(%dma_start3A_247 : memref<10240x128xbf16, #tpu.memory_space<hbm>>) target(%arg13 : memref<100x128xbf16, #tpu.memory_space<vmem>>) offsets(%dma_start3A_244 : memref<100xi32, #tpu.memory_space<vmem>>) semaphore(%dma_start3A_249 : memref<!tpu.dma_semaphore, #tpu.memory_space<semaphore_mem>>)
      } else {
      }
      %mul3A_158 = arith.constant 4 : i32
      %mul3A_159 = arith.muli %scan3A_95, %mul3A_158 : i32
      %add3A_160 = arith.constant 2 : i32
      %add3A_161 = arith.addi %mul3A_159, %add3A_160 : i32
      %dma_wait3A_162 = arith.constant 2 : i32
      %dma_wait3A_163 = arith.constant 0 : i32
      %dma_wait3A_164 = tpu.memref_slice %arg8[%add3A_161, %dma_wait3A_163] : memref<100x100xi32, #tpu.memory_space<vmem>> -> memref<1x100xi32, #tpu.memory_space<vmem>>
      %dma_wait3A_165 = tpu.memref_squeeze %dma_wait3A_164 : memref<1x100xi32, #tpu.memory_space<vmem>> -> memref<100xi32, #tpu.memory_space<vmem>>
      %dma_wait3A_166 = arith.constant 0 : i32
      %dma_wait3A_167 = arith.constant 0 : i32
      %dma_wait3A_168 = tpu.memref_slice %arg2[%dma_wait3A_166, %dma_wait3A_167] : memref<10240x128xbf16, #tpu.memory_space<hbm>> -> memref<10240x128xbf16, #tpu.memory_space<hbm>>
      %dma_wait3A_169 = tpu.memref_slice %arg14[%dma_wait3A_162] : memref<4x!tpu.dma_semaphore, #tpu.memory_space<semaphore_mem>> -> memref<1x!tpu.dma_semaphore, #tpu.memory_space<semaphore_mem>>
      %dma_wait3A_170 = tpu.memref_squeeze %dma_wait3A_169 : memref<1x!tpu.dma_semaphore, #tpu.memory_space<semaphore_mem>> -> memref<!tpu.dma_semaphore, #tpu.memory_space<semaphore_mem>>
      tpu.wait_indirect_dma semaphore(%dma_wait3A_170 : memref<!tpu.dma_semaphore, #tpu.memory_space<semaphore_mem>>) src(%dma_wait3A_168 : memref<10240x128xbf16, #tpu.memory_space<hbm>>) dst(%arg12 : memref<100x128xbf16, #tpu.memory_space<vmem>>)
      %dma_start3A_171 = arith.constant 2 : i32
      %dma_start3A_172 = arith.constant 0 : i32
      %dma_start3A_173 = tpu.memref_slice %arg9[%add3A_161, %dma_start3A_172] : memref<100x100xi32, #tpu.memory_space<vmem>> -> memref<1x100xi32, #tpu.memory_space<vmem>>
      %dma_start3A_174 = tpu.memref_squeeze %dma_start3A_173 : memref<1x100xi32, #tpu.memory_space<vmem>> -> memref<100xi32, #tpu.memory_space<vmem>>
      %dma_start3A_175 = arith.constant 0 : i32
      %dma_start3A_176 = arith.constant 0 : i32
      %dma_start3A_177 = tpu.memref_slice %arg7[%dma_start3A_175, %dma_start3A_176] : memref<10240x128xbf16, #tpu.memory_space<vmem_shared>> -> memref<10240x128xbf16, #tpu.memory_space<vmem_shared>>
      %dma_start3A_178 = tpu.memref_slice %arg15[%dma_start3A_171] : memref<4x!tpu.dma_semaphore, #tpu.memory_space<semaphore_mem>> -> memref<1x!tpu.dma_semaphore, #tpu.memory_space<semaphore_mem>>
      %dma_start3A_179 = tpu.memref_squeeze %dma_start3A_178 : memref<1x!tpu.dma_semaphore, #tpu.memory_space<semaphore_mem>> -> memref<!tpu.dma_semaphore, #tpu.memory_space<semaphore_mem>>
      tpu.enqueue_indirect_dma source(%arg12 : memref<100x128xbf16, #tpu.memory_space<vmem>>) target(%dma_start3A_177 : memref<10240x128xbf16, #tpu.memory_space<vmem_shared>>) offsets(%dma_start3A_174 : memref<100xi32, #tpu.memory_space<vmem>>) semaphore(%dma_start3A_179 : memref<!tpu.dma_semaphore, #tpu.memory_space<semaphore_mem>>) {add = true}
      %ge3A_180 = arith.constant 2 : i32
      %ge3A_181 = arith.cmpi sge, %add3A_161, %ge3A_180 : i32
      %add3A_182 = arith.constant 4 : i32
      %add3A_183 = arith.addi %add3A_161, %add3A_182 : i32
      %sub3A_184 = arith.constant 2 : i32
      %sub3A_185 = arith.subi %add3A_183, %sub3A_184 : i32
      %lt3A_186 = arith.constant 100 : i32
      %lt3A_187 = arith.cmpi slt, %sub3A_185, %lt3A_186 : i32
      %and3A_188 = arith.andi %ge3A_181, %lt3A_187 : i1
      %convert_element_type3A_189 = arith.extui %and3A_188 : i1 to i32
      %cond3A_190 = arith.constant 0 : i32
      %cond3A_191 = arith.cmpi ne, %convert_element_type3A_189, %cond3A_190 : i32
      scf.if %cond3A_191 {
        %sub3A_226 = arith.constant 2 : i32
        %sub3A_227 = arith.subi %add3A_161, %sub3A_226 : i32
        %dma_wait3A_228 = arith.constant 0 : i32
        %dma_wait3A_229 = arith.constant 0 : i32
        %dma_wait3A_230 = tpu.memref_slice %arg9[%sub3A_227, %dma_wait3A_229] : memref<100x100xi32, #tpu.memory_space<vmem>> -> memref<1x100xi32, #tpu.memory_space<vmem>>
        %dma_wait3A_231 = tpu.memref_squeeze %dma_wait3A_230 : memref<1x100xi32, #tpu.memory_space<vmem>> -> memref<100xi32, #tpu.memory_space<vmem>>
        %dma_wait3A_232 = arith.constant 0 : i32
        %dma_wait3A_233 = arith.constant 0 : i32
        %dma_wait3A_234 = tpu.memref_slice %arg7[%dma_wait3A_232, %dma_wait3A_233] : memref<10240x128xbf16, #tpu.memory_space<vmem_shared>> -> memref<10240x128xbf16, #tpu.memory_space<vmem_shared>>
        %dma_wait3A_235 = tpu.memref_slice %arg15[%dma_wait3A_228] : memref<4x!tpu.dma_semaphore, #tpu.memory_space<semaphore_mem>> -> memref<1x!tpu.dma_semaphore, #tpu.memory_space<semaphore_mem>>
        %dma_wait3A_236 = tpu.memref_squeeze %dma_wait3A_235 : memref<1x!tpu.dma_semaphore, #tpu.memory_space<semaphore_mem>> -> memref<!tpu.dma_semaphore, #tpu.memory_space<semaphore_mem>>
        tpu.wait_indirect_dma semaphore(%dma_wait3A_236 : memref<!tpu.dma_semaphore, #tpu.memory_space<semaphore_mem>>) src(%arg10 : memref<100x128xbf16, #tpu.memory_space<vmem>>) dst(%dma_wait3A_234 : memref<10240x128xbf16, #tpu.memory_space<vmem_shared>>)
        %add3A_237 = arith.constant 4 : i32
        %add3A_238 = arith.addi %add3A_161, %add3A_237 : i32
        %sub3A_239 = arith.constant 2 : i32
        %sub3A_240 = arith.subi %add3A_238, %sub3A_239 : i32
        %dma_start3A_241 = arith.constant 0 : i32
        %dma_start3A_242 = arith.constant 0 : i32
        %dma_start3A_243 = tpu.memref_slice %arg8[%sub3A_240, %dma_start3A_242] : memref<100x100xi32, #tpu.memory_space<vmem>> -> memref<1x100xi32, #tpu.memory_space<vmem>>
        %dma_start3A_244 = tpu.memref_squeeze %dma_start3A_243 : memref<1x100xi32, #tpu.memory_space<vmem>> -> memref<100xi32, #tpu.memory_space<vmem>>
        %dma_start3A_245 = arith.constant 0 : i32
        %dma_start3A_246 = arith.constant 0 : i32
        %dma_start3A_247 = tpu.memref_slice %arg2[%dma_start3A_245, %dma_start3A_246] : memref<10240x128xbf16, #tpu.memory_space<hbm>> -> memref<10240x128xbf16, #tpu.memory_space<hbm>>
        %dma_start3A_248 = tpu.memref_slice %arg14[%dma_start3A_241] : memref<4x!tpu.dma_semaphore, #tpu.memory_space<semaphore_mem>> -> memref<1x!tpu.dma_semaphore, #tpu.memory_space<semaphore_mem>>
        %dma_start3A_249 = tpu.memref_squeeze %dma_start3A_248 : memref<1x!tpu.dma_semaphore, #tpu.memory_space<semaphore_mem>> -> memref<!tpu.dma_semaphore, #tpu.memory_space<semaphore_mem>>
        tpu.enqueue_indirect_dma source(%dma_start3A_247 : memref<10240x128xbf16, #tpu.memory_space<hbm>>) target(%arg10 : memref<100x128xbf16, #tpu.memory_space<vmem>>) offsets(%dma_start3A_244 : memref<100xi32, #tpu.memory_space<vmem>>) semaphore(%dma_start3A_249 : memref<!tpu.dma_semaphore, #tpu.memory_space<semaphore_mem>>)
      } else {
      }
      %mul3A_192 = arith.constant 4 : i32
      %mul3A_193 = arith.muli %scan3A_95, %mul3A_192 : i32
      %add3A_194 = arith.constant 3 : i32
      %add3A_195 = arith.addi %mul3A_193, %add3A_194 : i32
      %dma_wait3A_196 = arith.constant 3 : i32
      %dma_wait3A_197 = arith.constant 0 : i32
      %dma_wait3A_198 = tpu.memref_slice %arg8[%add3A_195, %dma_wait3A_197] : memref<100x100xi32, #tpu.memory_space<vmem>> -> memref<1x100xi32, #tpu.memory_space<vmem>>
      %dma_wait3A_199 = tpu.memref_squeeze %dma_wait3A_198 : memref<1x100xi32, #tpu.memory_space<vmem>> -> memref<100xi32, #tpu.memory_space<vmem>>
      %dma_wait3A_200 = arith.constant 0 : i32
      %dma_wait3A_201 = arith.constant 0 : i32
      %dma_wait3A_202 = tpu.memref_slice %arg2[%dma_wait3A_200, %dma_wait3A_201] : memref<10240x128xbf16, #tpu.memory_space<hbm>> -> memref<10240x128xbf16, #tpu.memory_space<hbm>>
      %dma_wait3A_203 = tpu.memref_slice %arg14[%dma_wait3A_196] : memref<4x!tpu.dma_semaphore, #tpu.memory_space<semaphore_mem>> -> memref<1x!tpu.dma_semaphore, #tpu.memory_space<semaphore_mem>>
      %dma_wait3A_204 = tpu.memref_squeeze %dma_wait3A_203 : memref<1x!tpu.dma_semaphore, #tpu.memory_space<semaphore_mem>> -> memref<!tpu.dma_semaphore, #tpu.memory_space<semaphore_mem>>
      tpu.wait_indirect_dma semaphore(%dma_wait3A_204 : memref<!tpu.dma_semaphore, #tpu.memory_space<semaphore_mem>>) src(%dma_wait3A_202 : memref<10240x128xbf16, #tpu.memory_space<hbm>>) dst(%arg13 : memref<100x128xbf16, #tpu.memory_space<vmem>>)
      %dma_start3A_205 = arith.constant 3 : i32
      %dma_start3A_206 = arith.constant 0 : i32
      %dma_start3A_207 = tpu.memref_slice %arg9[%add3A_195, %dma_start3A_206] : memref<100x100xi32, #tpu.memory_space<vmem>> -> memref<1x100xi32, #tpu.memory_space<vmem>>
      %dma_start3A_208 = tpu.memref_squeeze %dma_start3A_207 : memref<1x100xi32, #tpu.memory_space<vmem>> -> memref<100xi32, #tpu.memory_space<vmem>>
      %dma_start3A_209 = arith.constant 0 : i32
      %dma_start3A_210 = arith.constant 0 : i32
      %dma_start3A_211 = tpu.memref_slice %arg7[%dma_start3A_209, %dma_start3A_210] : memref<10240x128xbf16, #tpu.memory_space<vmem_shared>> -> memref<10240x128xbf16, #tpu.memory_space<vmem_shared>>
      %dma_start3A_212 = tpu.memref_slice %arg15[%dma_start3A_205] : memref<4x!tpu.dma_semaphore, #tpu.memory_space<semaphore_mem>> -> memref<1x!tpu.dma_semaphore, #tpu.memory_space<semaphore_mem>>
      %dma_start3A_213 = tpu.memref_squeeze %dma_start3A_212 : memref<1x!tpu.dma_semaphore, #tpu.memory_space<semaphore_mem>> -> memref<!tpu.dma_semaphore, #tpu.memory_space<semaphore_mem>>
      tpu.enqueue_indirect_dma source(%arg13 : memref<100x128xbf16, #tpu.memory_space<vmem>>) target(%dma_start3A_211 : memref<10240x128xbf16, #tpu.memory_space<vmem_shared>>) offsets(%dma_start3A_208 : memref<100xi32, #tpu.memory_space<vmem>>) semaphore(%dma_start3A_213 : memref<!tpu.dma_semaphore, #tpu.memory_space<semaphore_mem>>) {add = true}
      %ge3A_214 = arith.constant 2 : i32
      %ge3A_215 = arith.cmpi sge, %add3A_195, %ge3A_214 : i32
      %add3A_216 = arith.constant 4 : i32
      %add3A_217 = arith.addi %add3A_195, %add3A_216 : i32
      %sub3A_218 = arith.constant 2 : i32
      %sub3A_219 = arith.subi %add3A_217, %sub3A_218 : i32
      %lt3A_220 = arith.constant 100 : i32
      %lt3A_221 = arith.cmpi slt, %sub3A_219, %lt3A_220 : i32
      %and3A_222 = arith.andi %ge3A_215, %lt3A_221 : i1
      %convert_element_type3A_223 = arith.extui %and3A_222 : i1 to i32
      %cond3A_224 = arith.constant 0 : i32
      %cond3A_225 = arith.cmpi ne, %convert_element_type3A_223, %cond3A_224 : i32
      scf.if %cond3A_225 {
        %sub3A_226 = arith.constant 2 : i32
        %sub3A_227 = arith.subi %add3A_195, %sub3A_226 : i32
        %dma_wait3A_228 = arith.constant 1 : i32
        %dma_wait3A_229 = arith.constant 0 : i32
        %dma_wait3A_230 = tpu.memref_slice %arg9[%sub3A_227, %dma_wait3A_229] : memref<100x100xi32, #tpu.memory_space<vmem>> -> memref<1x100xi32, #tpu.memory_space<vmem>>
        %dma_wait3A_231 = tpu.memref_squeeze %dma_wait3A_230 : memref<1x100xi32, #tpu.memory_space<vmem>> -> memref<100xi32, #tpu.memory_space<vmem>>
        %dma_wait3A_232 = arith.constant 0 : i32
        %dma_wait3A_233 = arith.constant 0 : i32
        %dma_wait3A_234 = tpu.memref_slice %arg7[%dma_wait3A_232, %dma_wait3A_233] : memref<10240x128xbf16, #tpu.memory_space<vmem_shared>> -> memref<10240x128xbf16, #tpu.memory_space<vmem_shared>>
        %dma_wait3A_235 = tpu.memref_slice %arg15[%dma_wait3A_228] : memref<4x!tpu.dma_semaphore, #tpu.memory_space<semaphore_mem>> -> memref<1x!tpu.dma_semaphore, #tpu.memory_space<semaphore_mem>>
        %dma_wait3A_236 = tpu.memref_squeeze %dma_wait3A_235 : memref<1x!tpu.dma_semaphore, #tpu.memory_space<semaphore_mem>> -> memref<!tpu.dma_semaphore, #tpu.memory_space<semaphore_mem>>
        tpu.wait_indirect_dma semaphore(%dma_wait3A_236 : memref<!tpu.dma_semaphore, #tpu.memory_space<semaphore_mem>>) src(%arg11 : memref<100x128xbf16, #tpu.memory_space<vmem>>) dst(%dma_wait3A_234 : memref<10240x128xbf16, #tpu.memory_space<vmem_shared>>)
        %add3A_237 = arith.constant 4 : i32
        %add3A_238 = arith.addi %add3A_195, %add3A_237 : i32
        %sub3A_239 = arith.constant 2 : i32
        %sub3A_240 = arith.subi %add3A_238, %sub3A_239 : i32
        %dma_start3A_241 = arith.constant 1 : i32
        %dma_start3A_242 = arith.constant 0 : i32
        %dma_start3A_243 = tpu.memref_slice %arg8[%sub3A_240, %dma_start3A_242] : memref<100x100xi32, #tpu.memory_space<vmem>> -> memref<1x100xi32, #tpu.memory_space<vmem>>
        %dma_start3A_244 = tpu.memref_squeeze %dma_start3A_243 : memref<1x100xi32, #tpu.memory_space<vmem>> -> memref<100xi32, #tpu.memory_space<vmem>>
        %dma_start3A_245 = arith.constant 0 : i32
        %dma_start3A_246 = arith.constant 0 : i32
        %dma_start3A_247 = tpu.memref_slice %arg2[%dma_start3A_245, %dma_start3A_246] : memref<10240x128xbf16, #tpu.memory_space<hbm>> -> memref<10240x128xbf16, #tpu.memory_space<hbm>>
        %dma_start3A_248 = tpu.memref_slice %arg14[%dma_start3A_241] : memref<4x!tpu.dma_semaphore, #tpu.memory_space<semaphore_mem>> -> memref<1x!tpu.dma_semaphore, #tpu.memory_space<semaphore_mem>>
        %dma_start3A_249 = tpu.memref_squeeze %dma_start3A_248 : memref<1x!tpu.dma_semaphore, #tpu.memory_space<semaphore_mem>> -> memref<!tpu.dma_semaphore, #tpu.memory_space<semaphore_mem>>
        tpu.enqueue_indirect_dma source(%dma_start3A_247 : memref<10240x128xbf16, #tpu.memory_space<hbm>>) target(%arg11 : memref<100x128xbf16, #tpu.memory_space<vmem>>) offsets(%dma_start3A_244 : memref<100xi32, #tpu.memory_space<vmem>>) semaphore(%dma_start3A_249 : memref<!tpu.dma_semaphore, #tpu.memory_space<semaphore_mem>>)
      } else {
      }
    }
    %scan3A_50 = arith.constant 25 : i32
    %dma_wait3A = arith.constant 96 : i32
    %dma_wait3A_51 = arith.constant 0 : i32
    %dma_wait3A_52 = arith.constant 0 : i32
    %dma_wait3A_53 = tpu.memref_slice %arg9[%dma_wait3A, %dma_wait3A_52] : memref<100x100xi32, #tpu.memory_space<vmem>> -> memref<1x100xi32, #tpu.memory_space<vmem>>
    %dma_wait3A_54 = tpu.memref_squeeze %dma_wait3A_53 : memref<1x100xi32, #tpu.memory_space<vmem>> -> memref<100xi32, #tpu.memory_space<vmem>>
    %dma_wait3A_55 = arith.constant 0 : i32
    %dma_wait3A_56 = arith.constant 0 : i32
    %dma_wait3A_57 = tpu.memref_slice %arg7[%dma_wait3A_55, %dma_wait3A_56] : memref<10240x128xbf16, #tpu.memory_space<vmem_shared>> -> memref<10240x128xbf16, #tpu.memory_space<vmem_shared>>
    %dma_wait3A_58 = tpu.memref_slice %arg15[%dma_wait3A_51] : memref<4x!tpu.dma_semaphore, #tpu.memory_space<semaphore_mem>> -> memref<1x!tpu.dma_semaphore, #tpu.memory_space<semaphore_mem>>
    %dma_wait3A_59 = tpu.memref_squeeze %dma_wait3A_58 : memref<1x!tpu.dma_semaphore, #tpu.memory_space<semaphore_mem>> -> memref<!tpu.dma_semaphore, #tpu.memory_space<semaphore_mem>>
    tpu.wait_indirect_dma semaphore(%dma_wait3A_59 : memref<!tpu.dma_semaphore, #tpu.memory_space<semaphore_mem>>) src(%arg10 : memref<100x128xbf16, #tpu.memory_space<vmem>>) dst(%dma_wait3A_57 : memref<10240x128xbf16, #tpu.memory_space<vmem_shared>>)
    %dma_wait3A_60 = arith.constant 97 : i32
    %dma_wait3A_61 = arith.constant 1 : i32
    %dma_wait3A_62 = arith.constant 0 : i32
    %dma_wait3A_63 = tpu.memref_slice %arg9[%dma_wait3A_60, %dma_wait3A_62] : memref<100x100xi32, #tpu.memory_space<vmem>> -> memref<1x100xi32, #tpu.memory_space<vmem>>
    %dma_wait3A_64 = tpu.memref_squeeze %dma_wait3A_63 : memref<1x100xi32, #tpu.memory_space<vmem>> -> memref<100xi32, #tpu.memory_space<vmem>>
    %dma_wait3A_65 = arith.constant 0 : i32
    %dma_wait3A_66 = arith.constant 0 : i32
    %dma_wait3A_67 = tpu.memref_slice %arg7[%dma_wait3A_65, %dma_wait3A_66] : memref<10240x128xbf16, #tpu.memory_space<vmem_shared>> -> memref<10240x128xbf16, #tpu.memory_space<vmem_shared>>
    %dma_wait3A_68 = tpu.memref_slice %arg15[%dma_wait3A_61] : memref<4x!tpu.dma_semaphore, #tpu.memory_space<semaphore_mem>> -> memref<1x!tpu.dma_semaphore, #tpu.memory_space<semaphore_mem>>
    %dma_wait3A_69 = tpu.memref_squeeze %dma_wait3A_68 : memref<1x!tpu.dma_semaphore, #tpu.memory_space<semaphore_mem>> -> memref<!tpu.dma_semaphore, #tpu.memory_space<semaphore_mem>>
    tpu.wait_indirect_dma semaphore(%dma_wait3A_69 : memref<!tpu.dma_semaphore, #tpu.memory_space<semaphore_mem>>) src(%arg11 : memref<100x128xbf16, #tpu.memory_space<vmem>>) dst(%dma_wait3A_67 : memref<10240x128xbf16, #tpu.memory_space<vmem_shared>>)
    %dma_wait3A_70 = arith.constant 98 : i32
    %dma_wait3A_71 = arith.constant 2 : i32
    %dma_wait3A_72 = arith.constant 0 : i32
    %dma_wait3A_73 = tpu.memref_slice %arg9[%dma_wait3A_70, %dma_wait3A_72] : memref<100x100xi32, #tpu.memory_space<vmem>> -> memref<1x100xi32, #tpu.memory_space<vmem>>
    %dma_wait3A_74 = tpu.memref_squeeze %dma_wait3A_73 : memref<1x100xi32, #tpu.memory_space<vmem>> -> memref<100xi32, #tpu.memory_space<vmem>>
    %dma_wait3A_75 = arith.constant 0 : i32
    %dma_wait3A_76 = arith.constant 0 : i32
    %dma_wait3A_77 = tpu.memref_slice %arg7[%dma_wait3A_75, %dma_wait3A_76] : memref<10240x128xbf16, #tpu.memory_space<vmem_shared>> -> memref<10240x128xbf16, #tpu.memory_space<vmem_shared>>
    %dma_wait3A_78 = tpu.memref_slice %arg15[%dma_wait3A_71] : memref<4x!tpu.dma_semaphore, #tpu.memory_space<semaphore_mem>> -> memref<1x!tpu.dma_semaphore, #tpu.memory_space<semaphore_mem>>
    %dma_wait3A_79 = tpu.memref_squeeze %dma_wait3A_78 : memref<1x!tpu.dma_semaphore, #tpu.memory_space<semaphore_mem>> -> memref<!tpu.dma_semaphore, #tpu.memory_space<semaphore_mem>>
    tpu.wait_indirect_dma semaphore(%dma_wait3A_79 : memref<!tpu.dma_semaphore, #tpu.memory_space<semaphore_mem>>) src(%arg12 : memref<100x128xbf16, #tpu.memory_space<vmem>>) dst(%dma_wait3A_77 : memref<10240x128xbf16, #tpu.memory_space<vmem_shared>>)
    %dma_wait3A_80 = arith.constant 99 : i32
    %dma_wait3A_81 = arith.constant 3 : i32
    %dma_wait3A_82 = arith.constant 0 : i32
    %dma_wait3A_83 = tpu.memref_slice %arg9[%dma_wait3A_80, %dma_wait3A_82] : memref<100x100xi32, #tpu.memory_space<vmem>> -> memref<1x100xi32, #tpu.memory_space<vmem>>
    %dma_wait3A_84 = tpu.memref_squeeze %dma_wait3A_83 : memref<1x100xi32, #tpu.memory_space<vmem>> -> memref<100xi32, #tpu.memory_space<vmem>>
    %dma_wait3A_85 = arith.constant 0 : i32
    %dma_wait3A_86 = arith.constant 0 : i32
    %dma_wait3A_87 = tpu.memref_slice %arg7[%dma_wait3A_85, %dma_wait3A_86] : memref<10240x128xbf16, #tpu.memory_space<vmem_shared>> -> memref<10240x128xbf16, #tpu.memory_space<vmem_shared>>
    %dma_wait3A_88 = tpu.memref_slice %arg15[%dma_wait3A_81] : memref<4x!tpu.dma_semaphore, #tpu.memory_space<semaphore_mem>> -> memref<1x!tpu.dma_semaphore, #tpu.memory_space<semaphore_mem>>
    %dma_wait3A_89 = tpu.memref_squeeze %dma_wait3A_88 : memref<1x!tpu.dma_semaphore, #tpu.memory_space<semaphore_mem>> -> memref<!tpu.dma_semaphore, #tpu.memory_space<semaphore_mem>>
    tpu.wait_indirect_dma semaphore(%dma_wait3A_89 : memref<!tpu.dma_semaphore, #tpu.memory_space<semaphore_mem>>) src(%arg13 : memref<100x128xbf16, #tpu.memory_space<vmem>>) dst(%dma_wait3A_87 : memref<10240x128xbf16, #tpu.memory_space<vmem_shared>>)
    %barrier3A_90 = arith.constant 0 : index
    tpu.barrier barrier_id(%barrier3A_90)
    %mul3A_91 = arith.constant 640 : i32
    %mul3A_92 = arith.muli %arg1, %mul3A_91 : i32
    %mul3A_93 = arith.constant 640 : i32
    %mul3A_94 = arith.muli %arg1, %mul3A_93 : i32
    "tpu.region"() ({
      %run_scoped3A = tpu.sem_alloc : memref<!tpu.dma_semaphore, #tpu.memory_space<semaphore_mem>>
      %dma_start3A_95 = arith.constant 0 : i32
      %dma_start3A_96 = tpu.memref_slice %arg6[%arg0, %mul3A_94, %dma_start3A_95] : memref<2x10240x128xbf16, #tpu.memory_space<hbm>> -> memref<1x640x128xbf16, #tpu.memory_space<hbm>>
      %dma_start3A_97 = tpu.memref_squeeze %dma_start3A_96 : memref<1x640x128xbf16, #tpu.memory_space<hbm>> -> memref<640x128xbf16, #tpu.memory_space<hbm>>
      %dma_start3A_98 = arith.constant 0 : i32
      %dma_start3A_99 = tpu.memref_slice %arg7[%mul3A_92, %dma_start3A_98] : memref<10240x128xbf16, #tpu.memory_space<vmem_shared>> -> memref<640x128xbf16, #tpu.memory_space<vmem_shared>>
      tpu.enqueue_dma source(%dma_start3A_99 : memref<640x128xbf16, #tpu.memory_space<vmem_shared>>) target(%dma_start3A_97 : memref<640x128xbf16, #tpu.memory_space<hbm>>) target_semaphore(%run_scoped3A : memref<!tpu.dma_semaphore, #tpu.memory_space<semaphore_mem>>)
      %dma_wait3A_100 = arith.constant 0 : i32
      %dma_wait3A_101 = tpu.memref_slice %arg6[%arg0, %mul3A_94, %dma_wait3A_100] : memref<2x10240x128xbf16, #tpu.memory_space<hbm>> -> memref<1x640x128xbf16, #tpu.memory_space<hbm>>
      %dma_wait3A_102 = tpu.memref_squeeze %dma_wait3A_101 : memref<1x640x128xbf16, #tpu.memory_space<hbm>> -> memref<640x128xbf16, #tpu.memory_space<hbm>>
      %dma_wait3A_103 = arith.constant 0 : i32
      %dma_wait3A_104 = tpu.memref_slice %arg7[%mul3A_92, %dma_wait3A_103] : memref<10240x128xbf16, #tpu.memory_space<vmem_shared>> -> memref<640x128xbf16, #tpu.memory_space<vmem_shared>>
      tpu.wait_dma2 semaphore(%run_scoped3A : memref<!tpu.dma_semaphore, #tpu.memory_space<semaphore_mem>>) src(%dma_wait3A_104 : memref<640x128xbf16, #tpu.memory_space<vmem_shared>>) dst(%dma_wait3A_102 : memref<640x128xbf16, #tpu.memory_space<hbm>>)
      tpu.yield
    }) : () -> ()
    return
  }
}

module attributes {stable_mosaic.version = 14 : i64} {
  func.func @_scale_kernel(%arg0: i32, %arg1: memref<2x2048xf32, #tpu.memory_space<vmem>>, %arg2: memref<2048x128xf32, #tpu.memory_space<vmem>>, %arg3: memref<2048x128xbf16, #tpu.memory_space<vmem>>) attributes {dimension_semantics = [#tpu.dimension_semantics<arbitrary>], iteration_bounds = array<i64: 5>, scalar_prefetch = 0 : i64, scratch_operands = 0 : i64, tpu.core_type = #tpu.core_type<tc>, window_params = [{transform_indices = @transform_0, window_bounds = array<i64: 2, 2048>}, {transform_indices = @transform_1, window_bounds = array<i64: 2048, 128>}, {transform_indices = @transform_2, window_bounds = array<i64: 2048, 128>}]} {
    %get3A = arith.constant 0 : index
    %get3A_0 = arith.constant 0 : index
    %get3A_1 = vector.load %arg1[%get3A, %get3A_0] : memref<2x2048xf32, #tpu.memory_space<vmem>>, vector<1x2048xf32>
    %get3A_2 = arith.constant 1 : index
    %get3A_3 = arith.constant 0 : index
    %get3A_4 = vector.load %arg1[%get3A_2, %get3A_3] : memref<2x2048xf32, #tpu.memory_space<vmem>>, vector<1x2048xf32>
    %add3A = arith.addf %get3A_1, %get3A_4 : vector<1x2048xf32>
    %gt3A = arith.constant 0.000000e+00 : f32
    %gt3A_5 = vector.broadcast %gt3A : f32 to vector<1x2048xf32>
    %gt3A_6 = arith.cmpf ogt, %add3A, %gt3A_5 : vector<1x2048xf32>
    %max3A = arith.constant 1.000000e+00 : f32
    %max3A_7 = vector.broadcast %max3A : f32 to vector<1x2048xf32>
    %max3A_8 = arith.maximumf %add3A, %max3A_7 : vector<1x2048xf32>
    %rsqrt3A = math.rsqrt %max3A_8 : vector<1x2048xf32>
    %jit3A = arith.constant 0.000000e+00 : f32
    %broadcast_in_dim3A = vector.broadcast %jit3A : f32 to vector<1x2048xf32>
    %select_n3A = arith.select %gt3A_6, %rsqrt3A, %broadcast_in_dim3A : vector<1x2048xi1>, vector<1x2048xf32>
    %broadcast_in_dim3A_9 = arith.constant 1.000000e+00 : f32
    %broadcast_in_dim3A_10 = vector.broadcast %broadcast_in_dim3A_9 : f32 to vector<1x128xf32>
    %dot_general3A = arith.constant dense<0.000000e+00> : vector<2048x128xf32>
    %dot_general3A_11 = tpu.matmul %select_n3A, %broadcast_in_dim3A_10, %dot_general3A {dimension_numbers = #tpu.dot_dimension_numbers<[0], [0], [1], [1], [0, 1, 1, 1], [], []>, transpose_lhs_hint = false} : vector<1x2048xf32>, vector<1x128xf32>, vector<2048x128xf32> -> vector<2048x128xf32>
    %get3A_12 = arith.constant 0 : index
    %get3A_13 = arith.constant 0 : index
    %get3A_14 = vector.load %arg2[%get3A_12, %get3A_13] : memref<2048x128xf32, #tpu.memory_space<vmem>>, vector<2048x128xf32>
    %mul3A = arith.mulf %get3A_14, %dot_general3A_11 : vector<2048x128xf32>
    %convert_element_type3A = arith.truncf %mul3A : vector<2048x128xf32> to vector<2048x128xbf16>
    %swap3A = arith.constant 0 : index
    %swap3A_15 = arith.constant 0 : index
    %swap3A_16 = vector.load %arg3[%swap3A, %swap3A_15] : memref<2048x128xbf16, #tpu.memory_space<vmem>>, vector<2048x128xbf16>
    tpu.vector_store %arg3[%swap3A, %swap3A_15], %convert_element_type3A {strides = array<i32>} : memref<2048x128xbf16, #tpu.memory_space<vmem>>, vector<2048x128xbf16>,
    return
  }
  func.func @transform_0(%arg0: i32) -> (i32, i32) {
    %c0_i32 = arith.constant 0 : i32
    %c0_i32_0 = arith.constant 0 : i32
    return %c0_i32, %arg0 : i32, i32
  }
  func.func @transform_1(%arg0: i32) -> (i32, i32) {
    %c0_i32 = arith.constant 0 : i32
    %c0_i32_0 = arith.constant 0 : i32
    return %arg0, %c0_i32 : i32, i32
  }
  func.func @transform_2(%arg0: i32) -> (i32, i32) {
    %c0_i32 = arith.constant 0 : i32
    %c0_i32_0 = arith.constant 0 : i32
    return %arg0, %c0_i32 : i32, i32
  }
}

module attributes {stable_mosaic.version = 14 : i64} {
  func.func @_layer1_kernel(%arg0: i32, %arg1: memref<2x2048xf32, #tpu.memory_space<vmem>>, %arg2: memref<2x2048x128xbf16, #tpu.memory_space<vmem>>, %arg3: memref<128x128xf32, #tpu.memory_space<vmem>>, %arg4: memref<1x128xf32, #tpu.memory_space<vmem>>, %arg5: memref<2048x128xbf16, #tpu.memory_space<vmem>>) attributes {dimension_semantics = [#tpu.dimension_semantics<arbitrary>], iteration_bounds = array<i64: 5>, scalar_prefetch = 0 : i64, scratch_operands = 0 : i64, tpu.core_type = #tpu.core_type<tc>, window_params = [{transform_indices = @transform_0, window_bounds = array<i64: 2, 2048>}, {transform_indices = @transform_1, window_bounds = array<i64: 2, 2048, 128>}, {pipeline_mode = #tpu.pipeline_mode<synchronous>, transform_indices = @transform_2, window_bounds = array<i64: 128, 128>}, {pipeline_mode = #tpu.pipeline_mode<synchronous>, transform_indices = @transform_3, window_bounds = array<i64: 1, 128>}, {transform_indices = @transform_4, window_bounds = array<i64: 2048, 128>}]} {
    %get3A = arith.constant 0 : index
    %get3A_0 = arith.constant 0 : index
    %get3A_1 = vector.load %arg1[%get3A, %get3A_0] : memref<2x2048xf32, #tpu.memory_space<vmem>>, vector<1x2048xf32>
    %get3A_2 = arith.constant 1 : index
    %get3A_3 = arith.constant 0 : index
    %get3A_4 = vector.load %arg1[%get3A_2, %get3A_3] : memref<2x2048xf32, #tpu.memory_space<vmem>>, vector<1x2048xf32>
    %add3A = arith.addf %get3A_1, %get3A_4 : vector<1x2048xf32>
    %gt3A = arith.constant 0.000000e+00 : f32
    %gt3A_5 = vector.broadcast %gt3A : f32 to vector<1x2048xf32>
    %gt3A_6 = arith.cmpf ogt, %add3A, %gt3A_5 : vector<1x2048xf32>
    %max3A = arith.constant 1.000000e+00 : f32
    %max3A_7 = vector.broadcast %max3A : f32 to vector<1x2048xf32>
    %max3A_8 = arith.maximumf %add3A, %max3A_7 : vector<1x2048xf32>
    %rsqrt3A = math.rsqrt %max3A_8 : vector<1x2048xf32>
    %jit3A = arith.constant 0.000000e+00 : f32
    %broadcast_in_dim3A = vector.broadcast %jit3A : f32 to vector<1x2048xf32>
    %select_n3A = arith.select %gt3A_6, %rsqrt3A, %broadcast_in_dim3A : vector<1x2048xi1>, vector<1x2048xf32>
    %broadcast_in_dim3A_9 = arith.constant 1.000000e+00 : f32
    %broadcast_in_dim3A_10 = vector.broadcast %broadcast_in_dim3A_9 : f32 to vector<1x128xf32>
    %dot_general3A = arith.constant dense<0.000000e+00> : vector<2048x128xf32>
    %dot_general3A_11 = tpu.matmul %select_n3A, %broadcast_in_dim3A_10, %dot_general3A {dimension_numbers = #tpu.dot_dimension_numbers<[0], [0], [1], [1], [0, 1, 1, 1], [], []>, transpose_lhs_hint = false} : vector<1x2048xf32>, vector<1x128xf32>, vector<2048x128xf32> -> vector<2048x128xf32>
    %get3A_12 = arith.constant 0 : index
    %get3A_13 = arith.constant 0 : index
    %get3A_14 = arith.constant 0 : index
    %get3A_15 = vector.load %arg2[%get3A_12, %get3A_13, %get3A_14] : memref<2x2048x128xbf16, #tpu.memory_space<vmem>>, vector<1x2048x128xbf16>
    %get3A_16 = vector.shape_cast %get3A_15 : vector<1x2048x128xbf16> to vector<2048x128xbf16>
    %convert_element_type3A = arith.extf %get3A_16 : vector<2048x128xbf16> to vector<2048x128xf32>
    %get3A_17 = arith.constant 1 : index
    %get3A_18 = arith.constant 0 : index
    %get3A_19 = arith.constant 0 : index
    %get3A_20 = vector.load %arg2[%get3A_17, %get3A_18, %get3A_19] : memref<2x2048x128xbf16, #tpu.memory_space<vmem>>, vector<1x2048x128xbf16>
    %get3A_21 = vector.shape_cast %get3A_20 : vector<1x2048x128xbf16> to vector<2048x128xbf16>
    %convert_element_type3A_22 = arith.extf %get3A_21 : vector<2048x128xbf16> to vector<2048x128xf32>
    %add3A_23 = arith.addf %convert_element_type3A, %convert_element_type3A_22 : vector<2048x128xf32>
    %mul3A = arith.mulf %add3A_23, %dot_general3A_11 : vector<2048x128xf32>
    %get3A_24 = arith.constant 0 : index
    %get3A_25 = arith.constant 0 : index
    %get3A_26 = vector.load %arg3[%get3A_24, %get3A_25] : memref<128x128xf32, #tpu.memory_space<vmem>>, vector<128x128xf32>
    %dot_general3A_27 = arith.constant dense<0.000000e+00> : vector<2048x128xf32>
    %dot_general3A_28 = tpu.matmul %mul3A, %get3A_26, %dot_general3A_27 {dimension_numbers = #tpu.dot_dimension_numbers<[1], [0], [0], [1], [0, 0, 1, 1], [], []>, transpose_lhs_hint = false} : vector<2048x128xf32>, vector<128x128xf32>, vector<2048x128xf32> -> vector<2048x128xf32>
    %get3A_29 = arith.constant 0 : index
    %get3A_30 = arith.constant 0 : index
    %get3A_31 = vector.load %arg4[%get3A_29, %get3A_30] : memref<1x128xf32, #tpu.memory_space<vmem>>, vector<1x128xf32>
    %add3A_32 = vector.broadcast %get3A_31 : vector<1x128xf32> to vector<2048x128xf32>
    %add3A_33 = arith.addf %dot_general3A_28, %add3A_32 : vector<2048x128xf32>
    %max3A_34 = arith.constant 0.000000e+00 : f32
    %max3A_35 = vector.broadcast %max3A_34 : f32 to vector<2048x128xf32>
    %max3A_36 = arith.maximumf %add3A_33, %max3A_35 : vector<2048x128xf32>
    %mul3A_37 = arith.mulf %max3A_36, %dot_general3A_11 : vector<2048x128xf32>
    %convert_element_type3A_38 = arith.truncf %mul3A_37 : vector<2048x128xf32> to vector<2048x128xbf16>
    %swap3A = arith.constant 0 : index
    %swap3A_39 = arith.constant 0 : index
    %swap3A_40 = vector.load %arg5[%swap3A, %swap3A_39] : memref<2048x128xbf16, #tpu.memory_space<vmem>>, vector<2048x128xbf16>
    tpu.vector_store %arg5[%swap3A, %swap3A_39], %convert_element_type3A_38 {strides = array<i32>} : memref<2048x128xbf16, #tpu.memory_space<vmem>>, vector<2048x128xbf16>,
    return
  }
  func.func @transform_0(%arg0: i32) -> (i32, i32) {
    %c0_i32 = arith.constant 0 : i32
    %c0_i32_0 = arith.constant 0 : i32
    return %c0_i32, %arg0 : i32, i32
  }
  func.func @transform_1(%arg0: i32) -> (i32, i32, i32) {
    %c0_i32 = arith.constant 0 : i32
    %c0_i32_0 = arith.constant 0 : i32
    %c0_i32_1 = arith.constant 0 : i32
    return %c0_i32, %arg0, %c0_i32_0 : i32, i32, i32
  }
  func.func @transform_2(%arg0: i32) -> (i32, i32) {
    %c0_i32 = arith.constant 0 : i32
    %c0_i32_0 = arith.constant 0 : i32
    %c0_i32_1 = arith.constant 0 : i32
    return %c0_i32, %c0_i32_0 : i32, i32
  }
  func.func @transform_3(%arg0: i32) -> (i32, i32) {
    %c0_i32 = arith.constant 0 : i32
    %c0_i32_0 = arith.constant 0 : i32
    %c0_i32_1 = arith.constant 0 : i32
    return %c0_i32, %c0_i32_0 : i32, i32
  }
  func.func @transform_4(%arg0: i32) -> (i32, i32) {
    %c0_i32 = arith.constant 0 : i32
    %c0_i32_0 = arith.constant 0 : i32
    return %arg0, %c0_i32 : i32, i32
  }
}

module attributes {stable_mosaic.version = 14 : i64} {
  func.func @_layer2_kernel(%arg0: i32, %arg1: memref<2x2048xf32, #tpu.memory_space<vmem>>, %arg2: memref<2x2048x128xbf16, #tpu.memory_space<vmem>>, %arg3: memref<128x256xf32, #tpu.memory_space<vmem>>, %arg4: memref<1x256xf32, #tpu.memory_space<vmem>>, %arg5: memref<256x16xf32, #tpu.memory_space<vmem>>, %arg6: memref<1x16xf32, #tpu.memory_space<vmem>>, %arg7: memref<1x16xf32, #tpu.memory_space<vmem>>, %arg8: memref<1x256xf32, #tpu.memory_space<vmem>>) attributes {dimension_semantics = [#tpu.dimension_semantics<arbitrary>], iteration_bounds = array<i64: 5>, scalar_prefetch = 0 : i64, scratch_operands = 1 : i64, tpu.core_type = #tpu.core_type<tc>, window_params = [{transform_indices = @transform_0, window_bounds = array<i64: 2, 2048>}, {transform_indices = @transform_1, window_bounds = array<i64: 2, 2048, 128>}, {pipeline_mode = #tpu.pipeline_mode<synchronous>, transform_indices = @transform_2, window_bounds = array<i64: 128, 256>}, {pipeline_mode = #tpu.pipeline_mode<synchronous>, transform_indices = @transform_3, window_bounds = array<i64: 1, 256>}, {pipeline_mode = #tpu.pipeline_mode<synchronous>, transform_indices = @transform_4, window_bounds = array<i64: 256, 16>}, {pipeline_mode = #tpu.pipeline_mode<synchronous>, transform_indices = @transform_5, window_bounds = array<i64: 1, 16>}, {pipeline_mode = #tpu.pipeline_mode<synchronous>, transform_indices = @transform_6, window_bounds = array<i64: 1, 16>}]} {
    %get3A = arith.constant 0 : index
    %get3A_0 = arith.constant 0 : index
    %get3A_1 = vector.load %arg1[%get3A, %get3A_0] : memref<2x2048xf32, #tpu.memory_space<vmem>>, vector<1x2048xf32>
    %get3A_2 = arith.constant 1 : index
    %get3A_3 = arith.constant 0 : index
    %get3A_4 = vector.load %arg1[%get3A_2, %get3A_3] : memref<2x2048xf32, #tpu.memory_space<vmem>>, vector<1x2048xf32>
    %add3A = arith.addf %get3A_1, %get3A_4 : vector<1x2048xf32>
    %gt3A = arith.constant 0.000000e+00 : f32
    %gt3A_5 = vector.broadcast %gt3A : f32 to vector<1x2048xf32>
    %gt3A_6 = arith.cmpf ogt, %add3A, %gt3A_5 : vector<1x2048xf32>
    %max3A = arith.constant 1.000000e+00 : f32
    %max3A_7 = vector.broadcast %max3A : f32 to vector<1x2048xf32>
    %max3A_8 = arith.maximumf %add3A, %max3A_7 : vector<1x2048xf32>
    %rsqrt3A = math.rsqrt %max3A_8 : vector<1x2048xf32>
    %jit3A = arith.constant 0.000000e+00 : f32
    %broadcast_in_dim3A = vector.broadcast %jit3A : f32 to vector<1x2048xf32>
    %select_n3A = arith.select %gt3A_6, %rsqrt3A, %broadcast_in_dim3A : vector<1x2048xi1>, vector<1x2048xf32>
    %broadcast_in_dim3A_9 = arith.constant 1.000000e+00 : f32
    %broadcast_in_dim3A_10 = vector.broadcast %broadcast_in_dim3A_9 : f32 to vector<1x128xf32>
    %dot_general3A = arith.constant dense<0.000000e+00> : vector<2048x128xf32>
    %dot_general3A_11 = tpu.matmul %select_n3A, %broadcast_in_dim3A_10, %dot_general3A {dimension_numbers = #tpu.dot_dimension_numbers<[0], [0], [1], [1], [0, 1, 1, 1], [], []>, transpose_lhs_hint = false} : vector<1x2048xf32>, vector<1x128xf32>, vector<2048x128xf32> -> vector<2048x128xf32>
    %get3A_12 = arith.constant 0 : index
    %get3A_13 = arith.constant 0 : index
    %get3A_14 = arith.constant 0 : index
    %get3A_15 = vector.load %arg2[%get3A_12, %get3A_13, %get3A_14] : memref<2x2048x128xbf16, #tpu.memory_space<vmem>>, vector<1x2048x128xbf16>
    %get3A_16 = vector.shape_cast %get3A_15 : vector<1x2048x128xbf16> to vector<2048x128xbf16>
    %convert_element_type3A = arith.extf %get3A_16 : vector<2048x128xbf16> to vector<2048x128xf32>
    %get3A_17 = arith.constant 1 : index
    %get3A_18 = arith.constant 0 : index
    %get3A_19 = arith.constant 0 : index
    %get3A_20 = vector.load %arg2[%get3A_17, %get3A_18, %get3A_19] : memref<2x2048x128xbf16, #tpu.memory_space<vmem>>, vector<1x2048x128xbf16>
    %get3A_21 = vector.shape_cast %get3A_20 : vector<1x2048x128xbf16> to vector<2048x128xbf16>
    %convert_element_type3A_22 = arith.extf %get3A_21 : vector<2048x128xbf16> to vector<2048x128xf32>
    %add3A_23 = arith.addf %convert_element_type3A, %convert_element_type3A_22 : vector<2048x128xf32>
    %mul3A = arith.mulf %add3A_23, %dot_general3A_11 : vector<2048x128xf32>
    %get3A_24 = arith.constant 0 : index
    %get3A_25 = arith.constant 0 : index
    %get3A_26 = vector.load %arg3[%get3A_24, %get3A_25] : memref<128x256xf32, #tpu.memory_space<vmem>>, vector<128x256xf32>
    %dot_general3A_27 = arith.constant dense<0.000000e+00> : vector<2048x256xf32>
    %dot_general3A_28 = tpu.matmul %mul3A, %get3A_26, %dot_general3A_27 {dimension_numbers = #tpu.dot_dimension_numbers<[1], [0], [0], [1], [0, 0, 1, 1], [], []>, transpose_lhs_hint = false} : vector<2048x128xf32>, vector<128x256xf32>, vector<2048x256xf32> -> vector<2048x256xf32>
    %get3A_29 = arith.constant 0 : index
    %get3A_30 = arith.constant 0 : index
    %get3A_31 = vector.load %arg4[%get3A_29, %get3A_30] : memref<1x256xf32, #tpu.memory_space<vmem>>, vector<1x256xf32>
    %add3A_32 = vector.broadcast %get3A_31 : vector<1x256xf32> to vector<2048x256xf32>
    %add3A_33 = arith.addf %dot_general3A_28, %add3A_32 : vector<2048x256xf32>
    %max3A_34 = arith.constant 0.000000e+00 : f32
    %max3A_35 = vector.broadcast %max3A_34 : f32 to vector<2048x256xf32>
    %max3A_36 = arith.maximumf %add3A_33, %max3A_35 : vector<2048x256xf32>
    %iota3A = tpu.iota {dimensions = array<i32: 0>} : vector<2048x256xi32>
    %mul3A_37 = arith.constant 2048 : i32
    %mul3A_38 = arith.muli %arg0, %mul3A_37 : i32
    %add3A_39 = vector.broadcast %mul3A_38 : i32 to vector<2048x256xi32>
    %add3A_40 = arith.addi %iota3A, %add3A_39 : vector<2048x256xi32>
    %lt3A = arith.constant 10000 : i32
    %lt3A_41 = vector.broadcast %lt3A : i32 to vector<2048x256xi32>
    %lt3A_42 = arith.cmpi slt, %add3A_40, %lt3A_41 : vector<2048x256xi32>
    %jit3A_43 = arith.constant 0.000000e+00 : f32
    %broadcast_in_dim3A_44 = vector.broadcast %jit3A_43 : f32 to vector<2048x256xf32>
    %select_n3A_45 = arith.select %lt3A_42, %max3A_36, %broadcast_in_dim3A_44 : vector<2048x256xi1>, vector<2048x256xf32>
    %reduce_sum3A = arith.constant dense<0.000000e+00> : vector<256xf32>
    %reduce_sum3A_46 = vector.multi_reduction <add>, %select_n3A_45, %reduce_sum3A [0] : vector<2048x256xf32> to vector<256xf32>
    %broadcast_in_dim3A_47 = vector.shape_cast %reduce_sum3A_46 : vector<256xf32> to vector<1x256xf32>
    %eq3A = arith.constant 0 : i32
    %eq3A_48 = arith.cmpi eq, %arg0, %eq3A : i32
    %convert_element_type3A_49 = arith.extui %eq3A_48 : i1 to i32
    %cond3A = arith.constant 0 : i32
    %cond3A_50 = arith.cmpi ne, %convert_element_type3A_49, %cond3A : i32
    scf.if %cond3A_50 {
      %broadcast_in_dim3A_62 = arith.constant 0.000000e+00 : f32
      %broadcast_in_dim3A_63 = vector.broadcast %broadcast_in_dim3A_62 : f32 to vector<1x256xf32>
      %swap3A_64 = arith.constant 0 : index
      %swap3A_65 = arith.constant 0 : index
      %swap3A_66 = vector.load %arg8[%swap3A_64, %swap3A_65] : memref<1x256xf32, #tpu.memory_space<vmem>>, vector<1x256xf32>
      tpu.vector_store %arg8[%swap3A_64, %swap3A_65], %broadcast_in_dim3A_63 {strides = array<i32>} : memref<1x256xf32, #tpu.memory_space<vmem>>, vector<1x256xf32>,
    } else {
    }
    %get3A_51 = arith.constant 0 : index
    %get3A_52 = arith.constant 0 : index
    %get3A_53 = vector.load %arg8[%get3A_51, %get3A_52] : memref<1x256xf32, #tpu.memory_space<vmem>>, vector<1x256xf32>
    %add3A_54 = arith.addf %get3A_53, %broadcast_in_dim3A_47 : vector<1x256xf32>
    %swap3A = arith.constant 0 : index
    %swap3A_55 = arith.constant 0 : index
    %swap3A_56 = vector.load %arg8[%swap3A, %swap3A_55] : memref<1x256xf32, #tpu.memory_space<vmem>>, vector<1x256xf32>
    tpu.vector_store %arg8[%swap3A, %swap3A_55], %add3A_54 {strides = array<i32>} : memref<1x256xf32, #tpu.memory_space<vmem>>, vector<1x256xf32>,
    %eq3A_57 = arith.constant 4 : i32
    %eq3A_58 = arith.cmpi eq, %arg0, %eq3A_57 : i32
    %convert_element_type3A_59 = arith.extui %eq3A_58 : i1 to i32
    %cond3A_60 = arith.constant 0 : i32
    %cond3A_61 = arith.cmpi ne, %convert_element_type3A_59, %cond3A_60 : i32
    scf.if %cond3A_61 {
      %get3A_62 = arith.constant 0 : index
      %get3A_63 = arith.constant 0 : index
      %get3A_64 = vector.load %arg8[%get3A_62, %get3A_63] : memref<1x256xf32, #tpu.memory_space<vmem>>, vector<1x256xf32>
      %mul3A_65 = arith.constant 9.99999974E-5 : f32
      %mul3A_66 = vector.broadcast %mul3A_65 : f32 to vector<1x256xf32>
      %mul3A_67 = arith.mulf %get3A_64, %mul3A_66 : vector<1x256xf32>
      %get3A_68 = arith.constant 0 : index
      %get3A_69 = arith.constant 0 : index
      %get3A_70 = vector.load %arg5[%get3A_68, %get3A_69] : memref<256x16xf32, #tpu.memory_space<vmem>>, vector<256x16xf32>
      %dot_general3A_71 = arith.constant dense<0.000000e+00> : vector<1x16xf32>
      %dot_general3A_72 = tpu.matmul %mul3A_67, %get3A_70, %dot_general3A_71 {dimension_numbers = #tpu.dot_dimension_numbers<[1], [0], [0], [1], [0, 0, 1, 1], [], []>, transpose_lhs_hint = false} : vector<1x256xf32>, vector<256x16xf32>, vector<1x16xf32> -> vector<1x16xf32>
      %get3A_73 = arith.constant 0 : index
      %get3A_74 = arith.constant 0 : index
      %get3A_75 = vector.load %arg6[%get3A_73, %get3A_74] : memref<1x16xf32, #tpu.memory_space<vmem>>, vector<1x16xf32>
      %add3A_76 = arith.addf %dot_general3A_72, %get3A_75 : vector<1x16xf32>
      %swap3A_77 = arith.constant 0 : index
      %swap3A_78 = arith.constant 0 : index
      %swap3A_79 = vector.load %arg7[%swap3A_77, %swap3A_78] : memref<1x16xf32, #tpu.memory_space<vmem>>, vector<1x16xf32>
      tpu.vector_store %arg7[%swap3A_77, %swap3A_78], %add3A_76 {strides = array<i32>} : memref<1x16xf32, #tpu.memory_space<vmem>>, vector<1x16xf32>,
    } else {
    }
    return
  }
  func.func @transform_0(%arg0: i32) -> (i32, i32) {
    %c0_i32 = arith.constant 0 : i32
    %c0_i32_0 = arith.constant 0 : i32
    return %c0_i32, %arg0 : i32, i32
  }
  func.func @transform_1(%arg0: i32) -> (i32, i32, i32) {
    %c0_i32 = arith.constant 0 : i32
    %c0_i32_0 = arith.constant 0 : i32
    %c0_i32_1 = arith.constant 0 : i32
    return %c0_i32, %arg0, %c0_i32_0 : i32, i32, i32
  }
  func.func @transform_2(%arg0: i32) -> (i32, i32) {
    %c0_i32 = arith.constant 0 : i32
    %c0_i32_0 = arith.constant 0 : i32
    %c0_i32_1 = arith.constant 0 : i32
    return %c0_i32, %c0_i32_0 : i32, i32
  }
  func.func @transform_3(%arg0: i32) -> (i32, i32) {
    %c0_i32 = arith.constant 0 : i32
    %c0_i32_0 = arith.constant 0 : i32
    %c0_i32_1 = arith.constant 0 : i32
    return %c0_i32, %c0_i32_0 : i32, i32
  }
  func.func @transform_4(%arg0: i32) -> (i32, i32) {
    %c0_i32 = arith.constant 0 : i32
    %c0_i32_0 = arith.constant 0 : i32
    %c0_i32_1 = arith.constant 0 : i32
    return %c0_i32, %c0_i32_0 : i32, i32
  }
  func.func @transform_5(%arg0: i32) -> (i32, i32) {
    %c0_i32 = arith.constant 0 : i32
    %c0_i32_0 = arith.constant 0 : i32
    %c0_i32_1 = arith.constant 0 : i32
    return %c0_i32, %c0_i32_0 : i32, i32
  }
  func.func @transform_6(%arg0: i32) -> (i32, i32) {
    %c0_i32 = arith.constant 0 : i32
    %c0_i32_0 = arith.constant 0 : i32
    %c0_i32_1 = arith.constant 0 : i32
    return %c0_i32, %c0_i32_0 : i32, i32
  }
}

</mosaic_0001>

<sc_bundles>
// kernel: kernel.11.cloned.1.call-start
scs
__scs_entry_jumppad:
0x0: {  	(pc) =	sbr.rel $0x88, $3  }
0x1: {  	(tag) =	ssettag $0x0;
	lr =	simm.s32 $0x1  }
0x2: {  	[smem:$0x3F99] =	sst lr;
	_ =	strace $0xD0000000  }
0x3: {  	_ = 	snop  }
0x4: {  	_ = 	snop  }
0x5: {  	_ = 	snop  }
0x6: {  	_ = 	snop  }
0x7: {  	_ = 	snop  }
__scs_overlays_trampoline_lowered:
0x8: {  	[smem:$0x3FA8] =	sst s0  }
0x9: {  	[smem:$0x3FA9] =	sst s1  }
0xa: {  	[smem:$0x3FAA] =	sst s2  }
0xb: {  	[smem:$0x3FAB] =	sst s3  }
0xc: {  	[smem:$0x3FAC] =	sst s4  }
0xd: {  	[smem:$0x3FAD] =	sst s5  }
0xe: {  	[smem:$0x3FAE] =	sst s6  }
0xf: {  	[smem:$0x3FAF] =	sst s7  }
0x10: {  	[smem:$0x3FB0] =	sst s8  }
0x11: {  	[smem:$0x3FB1] =	sst s9;
	s0 =	simm.s32 @!p0 $0x0  }
0x12: {  	s1 =	sld [smem:$0x3F97];
	s0 =	simm.s32 @p0 $0x1  }
0x13: {  	[smem:$0x3FB2] =	sst s0;
	s0 =	simm.s32 @!p1 $0x0  }
0x14: {  	s2 =	sld [smem:$0x3F96];
	s0 =	simm.s32 @p1 $0x1  }
0x15: {  	[smem:$0x3FB3] =	sst s0;
	s0 =	simm.s32 @!p2 $0x0  }
0x16: {  	s3 =	sld [smem:$0x3FDB];
	s0 =	simm.s32 @p2 $0x1  }
0x17: {  	s4 =	simm.s32 $0x1BF5;
	[smem:$0x3FB5] =	sst s0  }
0x18: {  	s0 =	sld [smem:$0x3F98];
	_ =	swait.ge [sflag:s4], $0x0  }
0x19: {  	s7 =	sld [smem:$0x3F99]  }
0x1a: {  	s8 =	sadd.s32 $0xFFFFE003, lr  }
0x1b: {  	s9 =	sadd.s32 $0xFFFFFEF7, lr;
	s5 =	simm.s32 $0xFFFFFFFF;
	p2 =	slt.u32 s8, $0xFFFFF086  }
0x1c: {  	p1 =	slt.u32 s9, $0xF7A;
	s5 =	simm.s32 @!p2 $0x0  }
0x1d: {  	s5 =	simm.s32 @p1 $0x1;
	p0 =	seq.s32 s7, s2  }
0x1e: {  	s7 =	smul.u32 @!p0 $0xF7A, s2;
	p2 =	seq.s32 @!p0 s5, $0x0  }
0x1f: {  	s9 =	smul.u32 $0xF7A, s1;
	s8 =	simm.s32 @!p0 $0x1BF5;
	p2 =	por !p2, p0  }
0x20: {  	[sflag:s8] =	ssyncset.s32 @!p0 $0xFFFFF086;
	s6 =	sadd.s32 @!p0 s3, s7;
	s7 =	simm.s32 @!p0 $0x108  }
0x21: {  	s3 =	sadd.s32 s3, s9;
	s6 =	sadd.s32 @!p0 $0x88, s6;
	s7 =	simm.s32 @p2 $0x1082  }
0x22: {  	[simem:s7], [sflag:s8] =	dma.local @!p0 [hbm:s6], $0xF7A  }
0x23: {  	s9 =	sor.u32 $0xD0000000, s2;
	s6 =	simm.s32 $0x108;
	_ =	swait.ge @!p0 [sflag:s8], $0x0  }
0x24: {  	s3 =	sadd.s32 $0x88, s3;
	s6 =	simm.s32 @!p1 $0x1082;
	[sflag:s4] =	ssyncset.s32 $0xFFFFF086  }
0x25: {  	[simem:s6], [sflag:s4] =	dma.local [hbm:s3], $0xF7A  }
0x26: {  	[smem:$0x3F99] =	sst s1;
	(tag) =	ssettag s2;
	_ =	strace s9  }
0x27: {  	s1 =	sld [smem:$0x3FA9]  }
0x28: {  	s2 =	sld [smem:$0x3FAA]  }
0x29: {  	s4 =	sld [smem:$0x3FAC]  }
0x2a: {  	p0 =	seq.s32 s5, $0x0;
	s5 =	sld [smem:$0x3FAD]  }
0x2b: {  	s6 =	sld [smem:$0x3FAE]  }
0x2c: {  	s7 =	sld [smem:$0x3FAF]  }
0x2d: {  	s3 =	simm.s32 $0x108;
	s8 =	sld [smem:$0x3FB0]  }
0x2e: {  	s3 =	simm.s32 @!p0 $0x1082;
	s9 =	sld [smem:$0x3FB1]  }
0x2f: {  	lr =	sadd.s32 s0, s3;
	s0 =	sld [smem:$0x3FA8]  }
0x30: {  	s3 =	sld [smem:$0x3FAB]  }
0x31: {  	[smem:$0x3FB4] =	sst s10  }
0x32: {  	s10 =	sld [smem:$0x3FB2];
	_ =	sdelay $0x3  }
0x33: {  	p0 =	seq.s32 s10, $0x1;
	s10 =	sld [smem:$0x3FB4];
	_ =	sdelay $0x3  }
0x34: {  	[smem:$0x3FB4] =	sst s10  }
0x35: {  	s10 =	sld [smem:$0x3FB3];
	_ =	sdelay $0x3  }
0x36: {  	p1 =	seq.s32 s10, $0x1;
	s10 =	sld [smem:$0x3FB4];
	_ =	sdelay $0x3  }
0x37: {  	[smem:$0x3FB4] =	sst s10  }
0x38: {  	s10 =	sld [smem:$0x3FB5]  }
0x39: {  	_ = 	snop;
	(pc) =	sbr.ind lr, $3  }
0x3a: {  	_ = 	snop  }
0x3b: {  	_ = 	snop  }
0x3c: {  	p2 =	seq.s32 s10, $0x1;
	s10 =	sld [smem:$0x3FB4]  }
0x3d: {  	_ =	shalt  }
0x3e: {  	_ =	shalt  }
0x3f: {  	_ =	shalt  }
0x40: {  	_ =	shalt  }
0x41: {  	_ =	shalt  }
0x42: {  	_ =	shalt  }
0x43: {  	_ =	shalt  }
0x44: {  	_ =	shalt  }
0x45: {  	_ =	shalt  }
0x46: {  	_ =	shalt  }
0x47: {  	_ =	shalt  }
0x48: {  	_ =	shalt  }
0x49: {  	_ =	shalt  }
0x4a: {  	_ =	shalt  }
0x4b: {  	_ =	shalt  }
0x4c: {  	_ =	shalt  }
0x4d: {  	_ =	shalt  }
0x4e: {  	_ =	shalt  }
0x4f: {  	_ =	shalt  }
0x50: {  	_ =	shalt  }
0x51: {  	_ =	shalt  }
0x52: {  	_ =	shalt  }
0x53: {  	_ =	shalt  }
0x54: {  	_ =	shalt  }
0x55: {  	_ =	shalt  }
0x56: {  	_ =	shalt  }
0x57: {  	_ =	shalt  }
0x58: {  	_ =	shalt  }
0x59: {  	_ =	shalt  }
0x5a: {  	_ =	shalt  }
0x5b: {  	_ =	shalt  }
0x5c: {  	_ =	shalt  }
0x5d: {  	_ =	shalt  }
0x5e: {  	_ =	shalt  }
0x5f: {  	_ =	shalt  }
0x60: {  	_ =	shalt  }
0x61: {  	_ =	shalt  }
0x62: {  	_ =	shalt  }
0x63: {  	_ =	shalt  }
0x64: {  	_ =	shalt  }
0x65: {  	_ =	shalt  }
0x66: {  	_ =	shalt  }
0x67: {  	_ =	shalt  }
0x68: {  	_ =	shalt  }
0x69: {  	_ =	shalt  }
0x6a: {  	_ =	shalt  }
0x6b: {  	_ =	shalt  }
0x6c: {  	_ =	shalt  }
0x6d: {  	_ =	shalt  }
0x6e: {  	_ =	shalt  }
0x6f: {  	_ =	shalt  }
0x70: {  	_ =	shalt  }
0x71: {  	_ =	shalt  }
0x72: {  	_ =	shalt  }
0x73: {  	_ =	shalt  }
0x74: {  	_ =	shalt  }
0x75: {  	_ =	shalt  }
0x76: {  	_ =	shalt  }
0x77: {  	_ =	shalt  }
0x78: {  	_ =	shalt  }
0x79: {  	_ =	shalt  }
0x7a: {  	_ =	shalt  }
0x7b: {  	_ =	shalt  }
0x7c: {  	_ =	shalt  }
0x7d: {  	_ =	shalt  }
0x7e: {  	_ =	shalt  }
0x7f: {  	_ =	shalt  }
0x80: {  	_ =	shalt  }
0x81: {  	_ =	shalt  }
0x82: {  	_ =	shalt  }
0x83: {  	_ =	shalt  }
0x84: {  	_ =	shalt  }
0x85: {  	_ =	shalt  }
0x86: {  	_ =	shalt  }
0x87: {  	_ =	shalt  }
.Lfunc_end0:
.L_simem_size_0:
called_computation.1_lowered:
.L_overlay_start_0:
0x88: {  	s2 =	sld [smem:$0x3FD9]  }
0x89: {  	s3 =	sld [smem:$0x3FFE];
	_ =	sdelay $0x1  }
0x8a: {  	s1 =	srdreg.scid  }
0x8b: {  	s0 =	sand.u32 $0x1, s1  }
0x8c: {  	s16 =	sshll.u32 s0, $0xA;
	s2 =	sadd.s32 s3, s2  }
0x8d: {  	s2 =	sadd.s32 s2, s16  }
0x8e: {  	[smem:$0x3FC0] =	sst s2  }
0x8f: {  	_ = 	snop  }
0x90: {  	(tm) =	ssettm $0x1  }
0x91: {  	s17 =	sld [smem:$0x3FFB];
	_ =	sdelay $0x3  }
0x92: {  	_ =	strace s17  }
0x93: {  	s2 =	sld [smem:$0x3FFC];
	_ =	sdelay $0x3  }
0x94: {  	_ =	strace s2  }
0x95: {  	s2 =	sld [smem:$0x3FFD];
	_ =	sdelay $0x3  }
0x96: {  	_ =	strace s2  }
0x97: {  	_ =	strace $0x8FFFFFFF  }
0x98: {  	s18 =	sld [smem:$0x3FDB];
	_ =	sdelay $0x1  }
0x99: {  	s19 =	simm.s32 $_scs_section_size  }
0x9a: {  	s4 =	simm.s32 $_size__tile_overlayer_lowered;
	s5 =	simm.s32 $_tile_overlayer_lowered  }
0x9b: {  	s22 =	simm.s32 $0x1BFF;
	s21 =	sshll.u32 s5, $0x1;
	s2 =	sadd.s32 s19, s18  }
0x9c: {  	s6 =	simm.s32 $0x0;
	s20 =	sshll.u32 s4, $0x1;
	s4 =	sadd.s32 s21, s2  }
0x9d: {  	[timem:s6], [sflag:s22] =	dma.local [hbm:s4], s20  }
0x9e: {  	_ =	swait.ge [sflag:s22], s20  }
0x9f: {  	s3 =	ssub.s32 $0x0, s20;
	[sflag:s22] =	ssyncset.done $0x0  }
0xa0: {  	[sflag:s22] =	ssyncadd.s32 s3;
	_ =	sdelay $0x1  }
0xa1: {  	s23 =	simm.s32 $0x1B8B  }
0xa2: {  	_ =	swait.ge [sflag:s23], $0x1  }
0xa3: {  	[sflag:s23] =	ssyncset.done $0x0  }
0xa4: {  	s25 =	simm.s32 $0x1B8E;
	s24 =	sld [smem:$0x3FFE];
	[sflag:s23] =	ssyncadd.s32 $0xFFFFFFFF  }
0xa5: {  	s26 =	simm.s32 $execute0_lowered;
	[smem:$0x3FD2] =	sst s25  }
0xa6: {  	s4 =	sshll.u32 s26, $0x1;
	_ =	strace $0x80000049;
	[dreg:$0x1] =	wrdreg $0xFFFFFFFF  }
0xa7: {  	s28 =	simm.s32 $_size_execute0_lowered;
	s2 =	sadd.s32 s2, s4;
	[dreg:$0x0] =	wrdreg $0x0  }
0xa8: {  	s4 =	sshll.u32 s28, $0x1;
	[dreg:$0x2] =	wrdreg s2  }
0xa9: {  	[dreg:$0x3] =	wrdreg s4  }
0xaa: {  	[dreg:$0x4] =	wrdreg $0xC0  }
0xab: {  	_ =	task [dreg:s6], $0x5FFFF  }
0xac: {  	[dreg:$0x1] =	wrdreg $0xFFFFFFFF  }
0xad: {  	[dreg:$0x0] =	wrdreg $0x60  }
0xae: {  	[dreg:$0x2] =	wrdreg s24  }
0xaf: {  	[dreg:$0x3] =	wrdreg $0x0  }
0xb0: {  	[dreg:$0x4] =	wrdreg $0x9  }
0xb1: {  	_ =	task.clear_ibuf [dreg:s6], $0x5FFFF;
	_ =	strace $0x90000049  }
0xb2: {  	s29 =	simm.s32 $0x9;
	_ =	strace $0x8000004B  }
0xb3: {  	_ =	swait.ge [sflag:s29], $0x1  }
0xb4: {  	[sflag:s29] =	ssyncadd.s32 $0xFFFFFFFF  }
0xb5: {  	_ =	strace $0x9000004B  }
0xb6: {  	_ =	sfence  }
0xb7: {  	s30 =	sld [smem:$0x0];
	_ =	sdelay $0x2  }
0xb8: {  	s31 =	sshll.u32 s1, $0xD;
	s1 =	sshrl.u32 s1, $0x2  }
0xb9: {  	s3 =	sand.u32 $0x4000, s31;
	s1 =	sadd.s32 s1, s30  }
0xba: {  	s0 =	sor.u32 s3, s0;
	s1 =	sshll.u32 s1, $0x11  }
0xbb: {  	s0 =	sor.u32 s1, s0  }
0xbc: {  	s0 =	sadd.s32 $0x8F2B, s0  }
0xbd: {  	[sflag:s0] =	ssyncadd.remote.s32 $0x1  }
0xbe: {  	_ =	sfence.sel $0xFFFF  }
0xbf: {  	[dreg:$0x0] =	wrdreg $0xFFFFFFFF;
	(pc) =	sbr.abs _section_cstart, $3  }
0xc0: {  	[dreg:$0x1] =	wrdreg $0xFFFFFFFF  }
0xc1: {  	_ =	task.clear_ibuf [dreg:s6], $0x2FFFF;
	_ =	strace $0x9FFFFFFF  }
0xc2: {  	(tm) =	ssettm $0x7FFFFFFF  }
0xc3: {  	_ =	shalt  }
tec
execute0_lowered:
.L_overlay_start_1:
0x0: {  	(tag) =	ssettag $0x1  }
0x1: {  	s0 =	srdreg.scid;
	s6 =	rddreg [dreg:$0x0]  }
0x2: {  	s13 =	stileid.u32;
	s2 =	rddreg [dreg:$0x1]  }
0x3: {  	s3 =	simm.s32 $0x0;
	s10 =	simm.s32 $0xA000;
	s11 =	simm.s32 $0x9  }
0x4: {  	s12 =	simm.s32 $0xC8A0;
	s15 =	simm.s32 $0x64;
	s16 =	simm.s32 $0xF140  }
0x5: {  	s18 =	simm.s32 $0x10A40;
	s20 =	simm.s32 $0x12340;
	s22 =	simm.s32 $0x13C40  }
0x6: {  	s23 =	simm.s32 $0x1;
	s24 =	simm.s32 $0x2;
	s29 =	simm.s32 $0x5  }
0x7: {  	s31 =	simm.s32 $0x4;
	s19 =	simm.s32 $0x7;
	s21 =	simm.s32 $0x8  }
0x8: {  	s25 =	simm.s32 $0x0;
	s0 =	sand.u32 $0x1, s0;
	s1 =	sshll.u32 s13, $0x1  }
0x9: {  	s7 =	smul.u32 $0x14000, s13;
	[smem:$0x7FF] =	sst s3;
	s4 =	sadd.s32 $0x18000, s6  }
0xa: {  	s30 =	sshll.u32 s13, $0x6;
	s1 =	sor.u32 s0, s1;
	s5 =	smul.u32 $0x140000, s0  }
0xb: {  	_ =	strace $0x8000004A;
	s0 =	ssub.s32 $0x2, s0;
	s13 =	sor.u32 $0x1C09, s30  }
0xc: {  	s1 =	smul.u32 $0x514, s1;
	s9 =	sshrl.u32 s0, $0x1;
	s26 =	sshrl.u32 s7, $0x1  }
.Ltmp0:
0xd: {  	s8 =	sadd.s32 s7, s5;
	s5 =	sadd.s32 $0x16C00, s6;
	(pc) =	sbr.rel .LBB2_1-.Ltmp0, $4  }
0xe: {  	s0 =	ssub.s32 s0, s9;
	s28 =	sadd.s32 s26, s2;
	s26 =	simm.s32 $0x3  }
0xf: {  	s1 =	sadd.s32 s1, s6;
	s8 =	sshrl.u32 s8, $0x4;
	s9 =	smax.u32 s0, $0x1  }
0x10: {  	s14 =	sshrl.u32 s28, $0x3;
	s0 =	simm.s32 $0x6;
	s8 =	sadd.s32 s8, s6  }
0x11: {  	s6 =	sadd.s32 $0xC800, s1;
	s7 =	sadd.s32 $0x1800, s1;
	s8 =	sadd.s32 $0x2C000, s8  }
.LBB2_4:
0x12: {  	_ =	swait.ge [sflag:s31], $0x1900  }
0x13: {  	[sflag:s31] =	ssyncset.done $0x0  }
0x14: {  	[sflag:s31] =	ssyncadd.s32 $0xFFFFE700  }
0x15: {  	[spmem:s2] =	stream.indirect.scatter.add.bf16 [tilespmem:s22], [sflag:$0x8], $0x40, s1, s15, $0xb8;
	[tilespmem:$0x15540] =	vst v63  }
0x16: {  	_ =	swait.ge [sflag:s29], $0x1900  }
0x17: {  	[sflag:s29] =	ssyncset.done $0x0  }
0x18: {  	[sflag:s29] =	ssyncadd.s32 $0xFFFFE700  }
0x19: {  	_ =	swait.ge [sflag:s0], $0x1900  }
0x1a: {  	[sflag:s0] =	ssyncset.done $0x0  }
0x1b: {  	[sflag:s0] =	ssyncadd.s32 $0xFFFFE700  }
0x1c: {  	_ =	swait.ge [sflag:s19], $0x1900  }
0x1d: {  	[sflag:s19] =	ssyncset.done $0x0  }
0x1e: {  	[sflag:s19] =	ssyncadd.s32 $0xFFFFE700  }
0x1f: {  	_ =	swait.ge [sflag:s21], $0x1900  }
0x20: {  	s25 =	sadd.s32 $0x1, s25;
	[sflag:s21] =	ssyncset.done $0x0  }
0x21: {  	p0 =	sne.s32 s25, s9;
	[sflag:s21] =	ssyncadd.s32 $0xFFFFE700  }
.Ltmp1:
0x22: {  	[bflag:$0x0] =	sbarrier.arrive $0xFFFF;
	(pc) =	sbr.rel @!p0 .LBB2_5-.Ltmp1, $4  }
0x23: {  	[hbm:s8], [sflag:s13] =	dma.local [spmem:s14], $0x1400  }
0x24: {  	_ =	swait.ge [sflag:s11], $0x1400  }
0x25: {  	[sflag:s11] =	ssyncset.done $0x0  }
0x26: {  	[sflag:s11] =	ssyncadd.s32 $0xFFFFEC00  }
.LBB2_1:
0x27: {  	[tilespmem:s10], [sflag:$0x9] =	stream.linear.gather [hbm4b:s6+s3], $0x28A0, $0x38;
	[tilespmem:$0x15540] =	vst v63  }
0x28: {  	_ =	swait.ge [sflag:s11], $0x28A0  }
0x29: {  	[sflag:s11] =	ssyncset.done $0x0  }
0x2a: {  	[sflag:s11] =	ssyncadd.s32 $0xFFFFD760  }
0x2b: {  	[tilespmem:s12], [sflag:$0x9] =	stream.linear.gather [hbm4b:s7+s3], $0x28A0, $0x38;
	[tilespmem:$0x15540] =	vst v63  }
0x2c: {  	_ =	swait.ge [sflag:s11], $0x28A0  }
0x2d: {  	[sflag:s11] =	ssyncset.done $0x0  }
0x2e: {  	[sflag:s11] =	ssyncadd.s32 $0xFFFFD760  }
0x2f: {  	[spmem:s14], [sflag:s13] =	dma.local [hbm:s5], $0x1400  }
0x30: {  	_ =	swait.ge [sflag:s11], $0x1400  }
0x31: {  	[sflag:s11] =	ssyncset.done $0x0  }
0x32: {  	[sflag:s11] =	ssyncadd.s32 $0xFFFFEC00  }
0x33: {  	[bflag:$0x0] =	sbarrier.arrive $0xFFFF  }
0x34: {  	[tilespmem:s16], [sflag:$0x1] =	stream.indirect.gather [hbm4b:s4+s15], $0x40, s10, s15, $0xb8;
	[tilespmem:$0x15540] =	vst v63  }
0x35: {  	s1 =	simm.s32 $0xA068  }
0x36: {  	[tilespmem:s18], [sflag:$0x2] =	stream.indirect.gather [hbm4b:s4+s15], $0x40, s1, s15, $0xb8;
	[tilespmem:$0x15540] =	vst v63  }
0x37: {  	s30 =	simm.s32 $0xA0D0  }
0x38: {  	[tilespmem:s20], [sflag:$0x3] =	stream.indirect.gather [hbm4b:s4+s15], $0x40, s30, s15, $0xb8;
	[tilespmem:$0x15540] =	vst v63  }
0x39: {  	s17 =	simm.s32 $0xA138  }
0x3a: {  	[tilespmem:s22], [sflag:$0x4] =	stream.indirect.gather [hbm4b:s4+s15], $0x40, s17, s15, $0xb8;
	[tilespmem:$0x15540] =	vst v63  }
0x3b: {  	_ =	swait.ge [sflag:s23], $0x1900  }
0x3c: {  	[sflag:s23] =	ssyncset.done $0x0  }
0x3d: {  	[sflag:s23] =	ssyncadd.s32 $0xFFFFE700  }
0x3e: {  	[spmem:s2] =	stream.indirect.scatter.add.bf16 [tilespmem:s16], [sflag:$0x5], $0x40, s12, s15, $0xb8;
	[tilespmem:$0x15540] =	vst v63  }
0x3f: {  	_ =	swait.ge [sflag:s24], $0x1900  }
0x40: {  	[sflag:s24] =	ssyncset.done $0x0  }
0x41: {  	s30 =	simm.s32 $0xC908;
	[sflag:s24] =	ssyncadd.s32 $0xFFFFE700  }
0x42: {  	[spmem:s2] =	stream.indirect.scatter.add.bf16 [tilespmem:s18], [sflag:$0x6], $0x40, s30, s15, $0xb8;
	[tilespmem:$0x15540] =	vst v63  }
0x43: {  	_ =	swait.ge [sflag:s26], $0x1900  }
0x44: {  	[sflag:s26] =	ssyncset.done $0x0  }
0x45: {  	s17 =	simm.s32 $0xC970;
	[sflag:s26] =	ssyncadd.s32 $0xFFFFE700  }
0x46: {  	[spmem:s2] =	stream.indirect.scatter.add.bf16 [tilespmem:s20], [sflag:$0x7], $0x40, s17, s15, $0xb8;
	[tilespmem:$0x15540] =	vst v63  }
0x47: {  	_ =	swait.ge [sflag:s29], $0x1900  }
0x48: {  	[sflag:s29] =	ssyncset.done $0x0  }
0x49: {  	s30 =	simm.s32 $0xA1A0;
	[sflag:s29] =	ssyncadd.s32 $0xFFFFE700  }
0x4a: {  	[tilespmem:s16], [sflag:$0x1] =	stream.indirect.gather [hbm4b:s4+s15], $0x40, s30, s15, $0xb8;
	[tilespmem:$0x15540] =	vst v63  }
0x4b: {  	_ =	swait.ge [sflag:s31], $0x1900  }
0x4c: {  	[sflag:s31] =	ssyncset.done $0x0  }
0x4d: {  	s17 =	simm.s32 $0xC9D8;
	[sflag:s31] =	ssyncadd.s32 $0xFFFFE700  }
0x4e: {  	[spmem:s2] =	stream.indirect.scatter.add.bf16 [tilespmem:s22], [sflag:$0x8], $0x40, s17, s15, $0xb8;
	[tilespmem:$0x15540] =	vst v63  }
0x4f: {  	_ =	swait.ge [sflag:s0], $0x1900  }
0x50: {  	[sflag:s0] =	ssyncset.done $0x0  }
0x51: {  	s28 =	simm.s32 $0x0;
	s30 =	simm.s32 $0xA208;
	[sflag:s0] =	ssyncadd.s32 $0xFFFFE700  }
0x52: {  	[tilespmem:s18], [sflag:$0x2] =	stream.indirect.gather [hbm4b:s4+s15], $0x40, s30, s15, $0xb8;
	[tilespmem:$0x15540] =	vst v63  }
.LBB2_2:
0x53: {  	_ =	swait.ge [sflag:s23], $0x1900  }
0x54: {  	s30 =	sshra.s32 s28, $0x2;
	[sflag:s23] =	ssyncset.done $0x0  }
0x55: {  	s1 =	sadd.s32 $0xCA40, s30;
	[sflag:s23] =	ssyncadd.s32 $0xFFFFE700  }
0x56: {  	[spmem:s2] =	stream.indirect.scatter.add.bf16 [tilespmem:s16], [sflag:$0x5], $0x40, s1, s15, $0xb8;
	[tilespmem:$0x15540] =	vst v63  }
0x57: {  	_ =	swait.ge [sflag:s19], $0x1900  }
0x58: {  	[sflag:s19] =	ssyncset.done $0x0  }
0x59: {  	s17 =	sadd.s32 $0xA270, s30;
	[sflag:s19] =	ssyncadd.s32 $0xFFFFE700  }
0x5a: {  	[tilespmem:s20], [sflag:$0x3] =	stream.indirect.gather [hbm4b:s4+s15], $0x40, s17, s15, $0xb8;
	[tilespmem:$0x15540] =	vst v63  }
0x5b: {  	_ =	swait.ge [sflag:s24], $0x1900  }
0x5c: {  	[sflag:s24] =	ssyncset.done $0x0  }
0x5d: {  	s17 =	sadd.s32 $0xCAA8, s30;
	[sflag:s24] =	ssyncadd.s32 $0xFFFFE700  }
0x5e: {  	[spmem:s2] =	stream.indirect.scatter.add.bf16 [tilespmem:s18], [sflag:$0x6], $0x40, s17, s15, $0xb8;
	[tilespmem:$0x15540] =	vst v63  }
0x5f: {  	_ =	swait.ge [sflag:s21], $0x1900  }
0x60: {  	[sflag:s21] =	ssyncset.done $0x0  }
0x61: {  	p0 =	seq.s32 s28, $0x9580;
	s17 =	sadd.s32 $0xA2D8, s30;
	[sflag:s21] =	ssyncadd.s32 $0xFFFFE700  }
0x62: {  	[tilespmem:s22], [sflag:$0x4] =	stream.indirect.gather [hbm4b:s4+s15], $0x40, s17, s15, $0xb8;
	[tilespmem:$0x15540] =	vst v63  }
.Ltmp2:
0x63: {  	_ = 	snop;
	(pc) =	sbr.rel @p0 .LBB2_4-.Ltmp2, $4  }
0x64: {  	_ =	swait.ge [sflag:s26], $0x1900  }
0x65: {  	[sflag:s26] =	ssyncset.done $0x0  }
0x66: {  	s1 =	sadd.s32 $0xCB78, s30;
	s17 =	sadd.s32 $0xCB10, s30;
	[sflag:s26] =	ssyncadd.s32 $0xFFFFE700  }
0x67: {  	[spmem:s2] =	stream.indirect.scatter.add.bf16 [tilespmem:s20], [sflag:$0x7], $0x40, s17, s15, $0xb8;
	[tilespmem:$0x15540] =	vst v63  }
0x68: {  	_ =	swait.ge [sflag:s29], $0x1900  }
0x69: {  	[sflag:s29] =	ssyncset.done $0x0  }
0x6a: {  	s17 =	sadd.s32 $0xA340, s30;
	[sflag:s29] =	ssyncadd.s32 $0xFFFFE700  }
0x6b: {  	[tilespmem:s16], [sflag:$0x1] =	stream.indirect.gather [hbm4b:s4+s15], $0x40, s17, s15, $0xb8;
	[tilespmem:$0x15540] =	vst v63  }
0x6c: {  	_ =	swait.ge [sflag:s31], $0x1900  }
0x6d: {  	[sflag:s31] =	ssyncset.done $0x0  }
0x6e: {  	[sflag:s31] =	ssyncadd.s32 $0xFFFFE700  }
0x6f: {  	[spmem:s2] =	stream.indirect.scatter.add.bf16 [tilespmem:s22], [sflag:$0x8], $0x40, s1, s15, $0xb8;
	[tilespmem:$0x15540] =	vst v63  }
.Ltmp3:
0x70: {  	_ = 	snop;
	(pc) =	sbr.rel .LBB2_2-.Ltmp3, $4  }
0x71: {  	_ =	swait.ge [sflag:s0], $0x1900  }
0x72: {  	[sflag:s0] =	ssyncset.done $0x0  }
0x73: {  	s30 =	sadd.s32 $0xA3A8, s30;
	s28 =	sadd.s32 $0x680, s28;
	[sflag:s0] =	ssyncadd.s32 $0xFFFFE700  }
0x74: {  	[tilespmem:s18], [sflag:$0x2] =	stream.indirect.gather [hbm4b:s4+s15], $0x40, s30, s15, $0xb8;
	[tilespmem:$0x15540] =	vst v63  }
.LBB2_5:
0x75: {  	_ =	sfence.sel $0x180000  }
0x76: {  	[bflag:$0x0] =	sbarrier.arrive $0xFFFF  }
0x77: {  	_ =	strace $0x9000004A  }
0x78: {  	s0 =	stileid.u32;
	[bflag:$0x2] =	sbarrier.arrive $0xFFFF  }
0x79: {  	p0 =	sne.s32 s0, $0x0;
	s0 =	rddreg [dreg:$0x2]  }
0x7a: {  	s0 =	sadd.s32 @!p0 $0x100000, s0  }
0x7b: {  	[sflag:s0] =	ssyncadd.tile.s32 @!p0 $0x1;
	_ =	shalt  }
.Lfunc_end2:
_tile_overlayer_lowered:
.L_overlay_start_2:
0x7c: {  	(tag) =	ssettag $0x2  }
0x7d: {  	s0 =	rddreg [dreg:$0x0];
	s2 =	stileid.u32  }
0x7e: {  	s1 =	rddreg [dreg:$0x1];
	p0 =	sne.s32 s2, $0x0  }
0x7f: {  	s3 =	rddreg [dreg:$0x2];
	[bflag:$0x3] =	sbarrier.arrive $0xFFFF;
	s2 =	simm.s32 @!p0 $0x1C09  }
0x80: {  	[timem:s3], [sflag:s2] =	dma.local @!p0 [hbm:s0], s1  }
0x81: {  	s0 =	simm.s32 @!p0 $0x9  }
0x82: {  	_ =	swait.ge @!p0 [sflag:s0], s1  }
0x83: {  	s1 =	ssub.s32 @!p0 $0x0, s1;
	[sflag:s0] =	ssyncset.done @!p0 $0x0  }
0x84: {  	[sflag:s0] =	ssyncadd.s32 @!p0 s1  }
0x85: {  	[bflag:$0x3] =	sbarrier.arrive $0xFFFF  }
0x86: {  	_ =	shalt  }

// kernel: kernel.14.cloned.1.call-start
scs
__scs_entry_jumppad:
0x0: {  	(pc) =	sbr.rel $0x88, $3  }
0x1: {  	(tag) =	ssettag $0x0;
	lr =	simm.s32 $0x1  }
0x2: {  	[smem:$0x3F99] =	sst lr;
	_ =	strace $0xD0000000  }
0x3: {  	_ = 	snop  }
0x4: {  	_ = 	snop  }
0x5: {  	_ = 	snop  }
0x6: {  	_ = 	snop  }
0x7: {  	_ = 	snop  }
__scs_overlays_trampoline_lowered:
0x8: {  	[smem:$0x3FA8] =	sst s0  }
0x9: {  	[smem:$0x3FA9] =	sst s1  }
0xa: {  	[smem:$0x3FAA] =	sst s2  }
0xb: {  	[smem:$0x3FAB] =	sst s3  }
0xc: {  	[smem:$0x3FAC] =	sst s4  }
0xd: {  	[smem:$0x3FAD] =	sst s5  }
0xe: {  	[smem:$0x3FAE] =	sst s6  }
0xf: {  	[smem:$0x3FAF] =	sst s7  }
0x10: {  	[smem:$0x3FB0] =	sst s8  }
0x11: {  	[smem:$0x3FB1] =	sst s9;
	s0 =	simm.s32 @!p0 $0x0  }
0x12: {  	s1 =	sld [smem:$0x3F97];
	s0 =	simm.s32 @p0 $0x1  }
0x13: {  	[smem:$0x3FB2] =	sst s0;
	s0 =	simm.s32 @!p1 $0x0  }
0x14: {  	s2 =	sld [smem:$0x3F96];
	s0 =	simm.s32 @p1 $0x1  }
0x15: {  	[smem:$0x3FB3] =	sst s0;
	s0 =	simm.s32 @!p2 $0x0  }
0x16: {  	s3 =	sld [smem:$0x3FDB];
	s0 =	simm.s32 @p2 $0x1  }
0x17: {  	s4 =	simm.s32 $0x1BF5;
	[smem:$0x3FB5] =	sst s0  }
0x18: {  	s0 =	sld [smem:$0x3F98];
	_ =	swait.ge [sflag:s4], $0x0  }
0x19: {  	s7 =	sld [smem:$0x3F99]  }
0x1a: {  	s8 =	sadd.s32 $0xFFFFE003, lr  }
0x1b: {  	s9 =	sadd.s32 $0xFFFFFEF7, lr;
	s5 =	simm.s32 $0xFFFFFFFF;
	p2 =	slt.u32 s8, $0xFFFFF086  }
0x1c: {  	p1 =	slt.u32 s9, $0xF7A;
	s5 =	simm.s32 @!p2 $0x0  }
0x1d: {  	s5 =	simm.s32 @p1 $0x1;
	p0 =	seq.s32 s7, s2  }
0x1e: {  	s7 =	smul.u32 @!p0 $0xF7A, s2;
	p2 =	seq.s32 @!p0 s5, $0x0  }
0x1f: {  	s9 =	smul.u32 $0xF7A, s1;
	s8 =	simm.s32 @!p0 $0x1BF5;
	p2 =	por !p2, p0  }
0x20: {  	[sflag:s8] =	ssyncset.s32 @!p0 $0xFFFFF086;
	s6 =	sadd.s32 @!p0 s3, s7;
	s7 =	simm.s32 @!p0 $0x108  }
0x21: {  	s3 =	sadd.s32 s3, s9;
	s6 =	sadd.s32 @!p0 $0x88, s6;
	s7 =	simm.s32 @p2 $0x1082  }
0x22: {  	[simem:s7], [sflag:s8] =	dma.local @!p0 [hbm:s6], $0xF7A  }
0x23: {  	s9 =	sor.u32 $0xD0000000, s2;
	s6 =	simm.s32 $0x108;
	_ =	swait.ge @!p0 [sflag:s8], $0x0  }
0x24: {  	s3 =	sadd.s32 $0x88, s3;
	s6 =	simm.s32 @!p1 $0x1082;
	[sflag:s4] =	ssyncset.s32 $0xFFFFF086  }
0x25: {  	[simem:s6], [sflag:s4] =	dma.local [hbm:s3], $0xF7A  }
0x26: {  	[smem:$0x3F99] =	sst s1;
	(tag) =	ssettag s2;
	_ =	strace s9  }
0x27: {  	s1 =	sld [smem:$0x3FA9]  }
0x28: {  	s2 =	sld [smem:$0x3FAA]  }
0x29: {  	s4 =	sld [smem:$0x3FAC]  }
0x2a: {  	p0 =	seq.s32 s5, $0x0;
	s5 =	sld [smem:$0x3FAD]  }
0x2b: {  	s6 =	sld [smem:$0x3FAE]  }
0x2c: {  	s7 =	sld [smem:$0x3FAF]  }
0x2d: {  	s3 =	simm.s32 $0x108;
	s8 =	sld [smem:$0x3FB0]  }
0x2e: {  	s3 =	simm.s32 @!p0 $0x1082;
	s9 =	sld [smem:$0x3FB1]  }
0x2f: {  	lr =	sadd.s32 s0, s3;
	s0 =	sld [smem:$0x3FA8]  }
0x30: {  	s3 =	sld [smem:$0x3FAB]  }
0x31: {  	[smem:$0x3FB4] =	sst s10  }
0x32: {  	s10 =	sld [smem:$0x3FB2];
	_ =	sdelay $0x3  }
0x33: {  	p0 =	seq.s32 s10, $0x1;
	s10 =	sld [smem:$0x3FB4];
	_ =	sdelay $0x3  }
0x34: {  	[smem:$0x3FB4] =	sst s10  }
0x35: {  	s10 =	sld [smem:$0x3FB3];
	_ =	sdelay $0x3  }
0x36: {  	p1 =	seq.s32 s10, $0x1;
	s10 =	sld [smem:$0x3FB4];
	_ =	sdelay $0x3  }
0x37: {  	[smem:$0x3FB4] =	sst s10  }
0x38: {  	s10 =	sld [smem:$0x3FB5]  }
0x39: {  	_ = 	snop;
	(pc) =	sbr.ind lr, $3  }
0x3a: {  	_ = 	snop  }
0x3b: {  	_ = 	snop  }
0x3c: {  	p2 =	seq.s32 s10, $0x1;
	s10 =	sld [smem:$0x3FB4]  }
0x3d: {  	_ =	shalt  }
0x3e: {  	_ =	shalt  }
0x3f: {  	_ =	shalt  }
0x40: {  	_ =	shalt  }
0x41: {  	_ =	shalt  }
0x42: {  	_ =	shalt  }
0x43: {  	_ =	shalt  }
0x44: {  	_ =	shalt  }
0x45: {  	_ =	shalt  }
0x46: {  	_ =	shalt  }
0x47: {  	_ =	shalt  }
0x48: {  	_ =	shalt  }
0x49: {  	_ =	shalt  }
0x4a: {  	_ =	shalt  }
0x4b: {  	_ =	shalt  }
0x4c: {  	_ =	shalt  }
0x4d: {  	_ =	shalt  }
0x4e: {  	_ =	shalt  }
0x4f: {  	_ =	shalt  }
0x50: {  	_ =	shalt  }
0x51: {  	_ =	shalt  }
0x52: {  	_ =	shalt  }
0x53: {  	_ =	shalt  }
0x54: {  	_ =	shalt  }
0x55: {  	_ =	shalt  }
0x56: {  	_ =	shalt  }
0x57: {  	_ =	shalt  }
0x58: {  	_ =	shalt  }
0x59: {  	_ =	shalt  }
0x5a: {  	_ =	shalt  }
0x5b: {  	_ =	shalt  }
0x5c: {  	_ =	shalt  }
0x5d: {  	_ =	shalt  }
0x5e: {  	_ =	shalt  }
0x5f: {  	_ =	shalt  }
0x60: {  	_ =	shalt  }
0x61: {  	_ =	shalt  }
0x62: {  	_ =	shalt  }
0x63: {  	_ =	shalt  }
0x64: {  	_ =	shalt  }
0x65: {  	_ =	shalt  }
0x66: {  	_ =	shalt  }
0x67: {  	_ =	shalt  }
0x68: {  	_ =	shalt  }
0x69: {  	_ =	shalt  }
0x6a: {  	_ =	shalt  }
0x6b: {  	_ =	shalt  }
0x6c: {  	_ =	shalt  }
0x6d: {  	_ =	shalt  }
0x6e: {  	_ =	shalt  }
0x6f: {  	_ =	shalt  }
0x70: {  	_ =	shalt  }
0x71: {  	_ =	shalt  }
0x72: {  	_ =	shalt  }
0x73: {  	_ =	shalt  }
0x74: {  	_ =	shalt  }
0x75: {  	_ =	shalt  }
0x76: {  	_ =	shalt  }
0x77: {  	_ =	shalt  }
0x78: {  	_ =	shalt  }
0x79: {  	_ =	shalt  }
0x7a: {  	_ =	shalt  }
0x7b: {  	_ =	shalt  }
0x7c: {  	_ =	shalt  }
0x7d: {  	_ =	shalt  }
0x7e: {  	_ =	shalt  }
0x7f: {  	_ =	shalt  }
0x80: {  	_ =	shalt  }
0x81: {  	_ =	shalt  }
0x82: {  	_ =	shalt  }
0x83: {  	_ =	shalt  }
0x84: {  	_ =	shalt  }
0x85: {  	_ =	shalt  }
0x86: {  	_ =	shalt  }
0x87: {  	_ =	shalt  }
.Lfunc_end0:
.L_simem_size_0:
called_computation.2_lowered:
.L_overlay_start_0:
0x88: {  	s2 =	sld [smem:$0x3FD9]  }
0x89: {  	s3 =	sld [smem:$0x3FFE];
	_ =	sdelay $0x1  }
0x8a: {  	s1 =	srdreg.scid  }
0x8b: {  	s0 =	sand.u32 $0x1, s1  }
0x8c: {  	s16 =	sshll.u32 s0, $0xA;
	s2 =	sadd.s32 s3, s2  }
0x8d: {  	s2 =	sadd.s32 s2, s16  }
0x8e: {  	[smem:$0x3FC0] =	sst s2  }
0x8f: {  	_ = 	snop  }
0x90: {  	(tm) =	ssettm $0x1  }
0x91: {  	s17 =	sld [smem:$0x3FFB];
	_ =	sdelay $0x3  }
0x92: {  	_ =	strace s17  }
0x93: {  	s2 =	sld [smem:$0x3FFC];
	_ =	sdelay $0x3  }
0x94: {  	_ =	strace s2  }
0x95: {  	s2 =	sld [smem:$0x3FFD];
	_ =	sdelay $0x3  }
0x96: {  	_ =	strace s2  }
0x97: {  	_ =	strace $0x8FFFFFFF  }
0x98: {  	s18 =	sld [smem:$0x3FDB];
	_ =	sdelay $0x1  }
0x99: {  	s19 =	simm.s32 $_scs_section_size  }
0x9a: {  	s4 =	simm.s32 $_size__tile_overlayer_lowered;
	s5 =	simm.s32 $_tile_overlayer_lowered  }
0x9b: {  	s22 =	simm.s32 $0x1BFF;
	s21 =	sshll.u32 s5, $0x1;
	s2 =	sadd.s32 s19, s18  }
0x9c: {  	s6 =	simm.s32 $0x0;
	s20 =	sshll.u32 s4, $0x1;
	s4 =	sadd.s32 s21, s2  }
0x9d: {  	[timem:s6], [sflag:s22] =	dma.local [hbm:s4], s20  }
0x9e: {  	_ =	swait.ge [sflag:s22], s20  }
0x9f: {  	s3 =	ssub.s32 $0x0, s20;
	[sflag:s22] =	ssyncset.done $0x0  }
0xa0: {  	[sflag:s22] =	ssyncadd.s32 s3;
	_ =	sdelay $0x1  }
0xa1: {  	s23 =	simm.s32 $0x1B8B  }
0xa2: {  	_ =	swait.ge [sflag:s23], $0x1  }
0xa3: {  	[sflag:s23] =	ssyncset.done $0x0  }
0xa4: {  	s25 =	simm.s32 $0x1B8E;
	s24 =	sld [smem:$0x3FFE];
	[sflag:s23] =	ssyncadd.s32 $0xFFFFFFFF  }
0xa5: {  	s26 =	simm.s32 $execute0_lowered;
	[smem:$0x3FD2] =	sst s25  }
0xa6: {  	s4 =	sshll.u32 s26, $0x1;
	_ =	strace $0x8000004C;
	[dreg:$0x1] =	wrdreg $0xFFFFFFFF  }
0xa7: {  	s28 =	simm.s32 $_size_execute0_lowered;
	s2 =	sadd.s32 s2, s4;
	[dreg:$0x0] =	wrdreg $0x0  }
0xa8: {  	s4 =	sshll.u32 s28, $0x1;
	[dreg:$0x2] =	wrdreg s2  }
0xa9: {  	[dreg:$0x3] =	wrdreg s4  }
0xaa: {  	[dreg:$0x4] =	wrdreg $0xC0  }
0xab: {  	_ =	task [dreg:s6], $0x5FFFF  }
0xac: {  	[dreg:$0x1] =	wrdreg $0xFFFFFFFF  }
0xad: {  	[dreg:$0x0] =	wrdreg $0x60  }
0xae: {  	[dreg:$0x2] =	wrdreg s24  }
0xaf: {  	[dreg:$0x3] =	wrdreg $0x0  }
0xb0: {  	[dreg:$0x4] =	wrdreg $0x9  }
0xb1: {  	_ =	task.clear_ibuf [dreg:s6], $0x5FFFF;
	_ =	strace $0x9000004C  }
0xb2: {  	s29 =	simm.s32 $0x9;
	_ =	strace $0x8000004E  }
0xb3: {  	_ =	swait.ge [sflag:s29], $0x1  }
0xb4: {  	[sflag:s29] =	ssyncadd.s32 $0xFFFFFFFF  }
0xb5: {  	_ =	strace $0x9000004E  }
0xb6: {  	_ =	sfence  }
0xb7: {  	s30 =	sld [smem:$0x0];
	_ =	sdelay $0x2  }
0xb8: {  	s31 =	sshll.u32 s1, $0xD;
	s1 =	sshrl.u32 s1, $0x2  }
0xb9: {  	s3 =	sand.u32 $0x4000, s31;
	s1 =	sadd.s32 s1, s30  }
0xba: {  	s0 =	sor.u32 s3, s0;
	s1 =	sshll.u32 s1, $0x11  }
0xbb: {  	s0 =	sor.u32 s1, s0  }
0xbc: {  	s0 =	sadd.s32 $0x8F2B, s0  }
0xbd: {  	[sflag:s0] =	ssyncadd.remote.s32 $0x1  }
0xbe: {  	_ =	sfence.sel $0xFFFF  }
0xbf: {  	[dreg:$0x0] =	wrdreg $0xFFFFFFFF;
	(pc) =	sbr.abs _section_cstart, $3  }
0xc0: {  	[dreg:$0x1] =	wrdreg $0xFFFFFFFF  }
0xc1: {  	_ =	task.clear_ibuf [dreg:s6], $0x2FFFF;
	_ =	strace $0x9FFFFFFF  }
0xc2: {  	(tm) =	ssettm $0x7FFFFFFF  }
0xc3: {  	_ =	shalt  }
tec
execute0_lowered:
.L_overlay_start_1:
0x0: {  	(tag) =	ssettag $0x1  }
0x1: {  	s0 =	srdreg.scid;
	s6 =	rddreg [dreg:$0x0]  }
0x2: {  	s13 =	stileid.u32;
	s2 =	rddreg [dreg:$0x1]  }
0x3: {  	s3 =	simm.s32 $0x0;
	s10 =	simm.s32 $0xA000;
	s11 =	simm.s32 $0x9  }
0x4: {  	s12 =	simm.s32 $0xC8A0;
	s15 =	simm.s32 $0x64;
	s16 =	simm.s32 $0xF140  }
0x5: {  	s18 =	simm.s32 $0x10A40;
	s20 =	simm.s32 $0x12340;
	s22 =	simm.s32 $0x13C40  }
0x6: {  	s23 =	simm.s32 $0x1;
	s24 =	simm.s32 $0x2;
	s29 =	simm.s32 $0x5  }
0x7: {  	s31 =	simm.s32 $0x4;
	s19 =	simm.s32 $0x7;
	s21 =	simm.s32 $0x8  }
0x8: {  	s25 =	simm.s32 $0x0;
	s0 =	sand.u32 $0x1, s0;
	s1 =	sshll.u32 s13, $0x1  }
0x9: {  	s7 =	smul.u32 $0x14000, s13;
	[smem:$0x7FF] =	sst s3;
	s4 =	sadd.s32 $0x18000, s6  }
0xa: {  	s30 =	sshll.u32 s13, $0x6;
	s1 =	sor.u32 s0, s1;
	s5 =	smul.u32 $0x140000, s0  }
0xb: {  	_ =	strace $0x8000004D;
	s0 =	ssub.s32 $0x2, s0;
	s13 =	sor.u32 $0x1C09, s30  }
0xc: {  	s1 =	smul.u32 $0x514, s1;
	s9 =	sshrl.u32 s0, $0x1;
	s26 =	sshrl.u32 s7, $0x1  }
.Ltmp0:
0xd: {  	s8 =	sadd.s32 s7, s5;
	s5 =	sadd.s32 $0x16C00, s6;
	(pc) =	sbr.rel .LBB2_1-.Ltmp0, $4  }
0xe: {  	s0 =	ssub.s32 s0, s9;
	s28 =	sadd.s32 s26, s2;
	s26 =	simm.s32 $0x3  }
0xf: {  	s1 =	sadd.s32 s1, s6;
	s8 =	sshrl.u32 s8, $0x4;
	s9 =	smax.u32 s0, $0x1  }
0x10: {  	s14 =	sshrl.u32 s28, $0x3;
	s0 =	simm.s32 $0x6;
	s8 =	sadd.s32 s8, s6  }
0x11: {  	s6 =	sadd.s32 $0xC800, s1;
	s7 =	sadd.s32 $0x1800, s1;
	s8 =	sadd.s32 $0x2C000, s8  }
.LBB2_4:
0x12: {  	_ =	swait.ge [sflag:s31], $0x1900  }
0x13: {  	[sflag:s31] =	ssyncset.done $0x0  }
0x14: {  	[sflag:s31] =	ssyncadd.s32 $0xFFFFE700  }
0x15: {  	[spmem:s2] =	stream.indirect.scatter.add.bf16 [tilespmem:s22], [sflag:$0x8], $0x40, s1, s15, $0xb8;
	[tilespmem:$0x15540] =	vst v63  }
0x16: {  	_ =	swait.ge [sflag:s29], $0x1900  }
0x17: {  	[sflag:s29] =	ssyncset.done $0x0  }
0x18: {  	[sflag:s29] =	ssyncadd.s32 $0xFFFFE700  }
0x19: {  	_ =	swait.ge [sflag:s0], $0x1900  }
0x1a: {  	[sflag:s0] =	ssyncset.done $0x0  }
0x1b: {  	[sflag:s0] =	ssyncadd.s32 $0xFFFFE700  }
0x1c: {  	_ =	swait.ge [sflag:s19], $0x1900  }
0x1d: {  	[sflag:s19] =	ssyncset.done $0x0  }
0x1e: {  	[sflag:s19] =	ssyncadd.s32 $0xFFFFE700  }
0x1f: {  	_ =	swait.ge [sflag:s21], $0x1900  }
0x20: {  	s25 =	sadd.s32 $0x1, s25;
	[sflag:s21] =	ssyncset.done $0x0  }
0x21: {  	p0 =	sne.s32 s25, s9;
	[sflag:s21] =	ssyncadd.s32 $0xFFFFE700  }
.Ltmp1:
0x22: {  	[bflag:$0x0] =	sbarrier.arrive $0xFFFF;
	(pc) =	sbr.rel @!p0 .LBB2_5-.Ltmp1, $4  }
0x23: {  	[hbm:s8], [sflag:s13] =	dma.local [spmem:s14], $0x1400  }
0x24: {  	_ =	swait.ge [sflag:s11], $0x1400  }
0x25: {  	[sflag:s11] =	ssyncset.done $0x0  }
0x26: {  	[sflag:s11] =	ssyncadd.s32 $0xFFFFEC00  }
.LBB2_1:
0x27: {  	[tilespmem:s10], [sflag:$0x9] =	stream.linear.gather [hbm4b:s6+s3], $0x28A0, $0x38;
	[tilespmem:$0x15540] =	vst v63  }
0x28: {  	_ =	swait.ge [sflag:s11], $0x28A0  }
0x29: {  	[sflag:s11] =	ssyncset.done $0x0  }
0x2a: {  	[sflag:s11] =	ssyncadd.s32 $0xFFFFD760  }
0x2b: {  	[tilespmem:s12], [sflag:$0x9] =	stream.linear.gather [hbm4b:s7+s3], $0x28A0, $0x38;
	[tilespmem:$0x15540] =	vst v63  }
0x2c: {  	_ =	swait.ge [sflag:s11], $0x28A0  }
0x2d: {  	[sflag:s11] =	ssyncset.done $0x0  }
0x2e: {  	[sflag:s11] =	ssyncadd.s32 $0xFFFFD760  }
0x2f: {  	[spmem:s14], [sflag:s13] =	dma.local [hbm:s5], $0x1400  }
0x30: {  	_ =	swait.ge [sflag:s11], $0x1400  }
0x31: {  	[sflag:s11] =	ssyncset.done $0x0  }
0x32: {  	[sflag:s11] =	ssyncadd.s32 $0xFFFFEC00  }
0x33: {  	[bflag:$0x0] =	sbarrier.arrive $0xFFFF  }
0x34: {  	[tilespmem:s16], [sflag:$0x1] =	stream.indirect.gather [hbm4b:s4+s15], $0x40, s10, s15, $0xb8;
	[tilespmem:$0x15540] =	vst v63  }
0x35: {  	s1 =	simm.s32 $0xA068  }
0x36: {  	[tilespmem:s18], [sflag:$0x2] =	stream.indirect.gather [hbm4b:s4+s15], $0x40, s1, s15, $0xb8;
	[tilespmem:$0x15540] =	vst v63  }
0x37: {  	s30 =	simm.s32 $0xA0D0  }
0x38: {  	[tilespmem:s20], [sflag:$0x3] =	stream.indirect.gather [hbm4b:s4+s15], $0x40, s30, s15, $0xb8;
	[tilespmem:$0x15540] =	vst v63  }
0x39: {  	s17 =	simm.s32 $0xA138  }
0x3a: {  	[tilespmem:s22], [sflag:$0x4] =	stream.indirect.gather [hbm4b:s4+s15], $0x40, s17, s15, $0xb8;
	[tilespmem:$0x15540] =	vst v63  }
0x3b: {  	_ =	swait.ge [sflag:s23], $0x1900  }
0x3c: {  	[sflag:s23] =	ssyncset.done $0x0  }
0x3d: {  	[sflag:s23] =	ssyncadd.s32 $0xFFFFE700  }
0x3e: {  	[spmem:s2] =	stream.indirect.scatter.add.bf16 [tilespmem:s16], [sflag:$0x5], $0x40, s12, s15, $0xb8;
	[tilespmem:$0x15540] =	vst v63  }
0x3f: {  	_ =	swait.ge [sflag:s24], $0x1900  }
0x40: {  	[sflag:s24] =	ssyncset.done $0x0  }
0x41: {  	s30 =	simm.s32 $0xC908;
	[sflag:s24] =	ssyncadd.s32 $0xFFFFE700  }
0x42: {  	[spmem:s2] =	stream.indirect.scatter.add.bf16 [tilespmem:s18], [sflag:$0x6], $0x40, s30, s15, $0xb8;
	[tilespmem:$0x15540] =	vst v63  }
0x43: {  	_ =	swait.ge [sflag:s26], $0x1900  }
0x44: {  	[sflag:s26] =	ssyncset.done $0x0  }
0x45: {  	s17 =	simm.s32 $0xC970;
	[sflag:s26] =	ssyncadd.s32 $0xFFFFE700  }
0x46: {  	[spmem:s2] =	stream.indirect.scatter.add.bf16 [tilespmem:s20], [sflag:$0x7], $0x40, s17, s15, $0xb8;
	[tilespmem:$0x15540] =	vst v63  }
0x47: {  	_ =	swait.ge [sflag:s29], $0x1900  }
0x48: {  	[sflag:s29] =	ssyncset.done $0x0  }
0x49: {  	s30 =	simm.s32 $0xA1A0;
	[sflag:s29] =	ssyncadd.s32 $0xFFFFE700  }
0x4a: {  	[tilespmem:s16], [sflag:$0x1] =	stream.indirect.gather [hbm4b:s4+s15], $0x40, s30, s15, $0xb8;
	[tilespmem:$0x15540] =	vst v63  }
0x4b: {  	_ =	swait.ge [sflag:s31], $0x1900  }
0x4c: {  	[sflag:s31] =	ssyncset.done $0x0  }
0x4d: {  	s17 =	simm.s32 $0xC9D8;
	[sflag:s31] =	ssyncadd.s32 $0xFFFFE700  }
0x4e: {  	[spmem:s2] =	stream.indirect.scatter.add.bf16 [tilespmem:s22], [sflag:$0x8], $0x40, s17, s15, $0xb8;
	[tilespmem:$0x15540] =	vst v63  }
0x4f: {  	_ =	swait.ge [sflag:s0], $0x1900  }
0x50: {  	[sflag:s0] =	ssyncset.done $0x0  }
0x51: {  	s28 =	simm.s32 $0x0;
	s30 =	simm.s32 $0xA208;
	[sflag:s0] =	ssyncadd.s32 $0xFFFFE700  }
0x52: {  	[tilespmem:s18], [sflag:$0x2] =	stream.indirect.gather [hbm4b:s4+s15], $0x40, s30, s15, $0xb8;
	[tilespmem:$0x15540] =	vst v63  }
.LBB2_2:
0x53: {  	_ =	swait.ge [sflag:s23], $0x1900  }
0x54: {  	s30 =	sshra.s32 s28, $0x2;
	[sflag:s23] =	ssyncset.done $0x0  }
0x55: {  	s1 =	sadd.s32 $0xCA40, s30;
	[sflag:s23] =	ssyncadd.s32 $0xFFFFE700  }
0x56: {  	[spmem:s2] =	stream.indirect.scatter.add.bf16 [tilespmem:s16], [sflag:$0x5], $0x40, s1, s15, $0xb8;
	[tilespmem:$0x15540] =	vst v63  }
0x57: {  	_ =	swait.ge [sflag:s19], $0x1900  }
0x58: {  	[sflag:s19] =	ssyncset.done $0x0  }
0x59: {  	s17 =	sadd.s32 $0xA270, s30;
	[sflag:s19] =	ssyncadd.s32 $0xFFFFE700  }
0x5a: {  	[tilespmem:s20], [sflag:$0x3] =	stream.indirect.gather [hbm4b:s4+s15], $0x40, s17, s15, $0xb8;
	[tilespmem:$0x15540] =	vst v63  }
0x5b: {  	_ =	swait.ge [sflag:s24], $0x1900  }
0x5c: {  	[sflag:s24] =	ssyncset.done $0x0  }
0x5d: {  	s17 =	sadd.s32 $0xCAA8, s30;
	[sflag:s24] =	ssyncadd.s32 $0xFFFFE700  }
0x5e: {  	[spmem:s2] =	stream.indirect.scatter.add.bf16 [tilespmem:s18], [sflag:$0x6], $0x40, s17, s15, $0xb8;
	[tilespmem:$0x15540] =	vst v63  }
0x5f: {  	_ =	swait.ge [sflag:s21], $0x1900  }
0x60: {  	[sflag:s21] =	ssyncset.done $0x0  }
0x61: {  	p0 =	seq.s32 s28, $0x9580;
	s17 =	sadd.s32 $0xA2D8, s30;
	[sflag:s21] =	ssyncadd.s32 $0xFFFFE700  }
0x62: {  	[tilespmem:s22], [sflag:$0x4] =	stream.indirect.gather [hbm4b:s4+s15], $0x40, s17, s15, $0xb8;
	[tilespmem:$0x15540] =	vst v63  }
.Ltmp2:
0x63: {  	_ = 	snop;
	(pc) =	sbr.rel @p0 .LBB2_4-.Ltmp2, $4  }
0x64: {  	_ =	swait.ge [sflag:s26], $0x1900  }
0x65: {  	[sflag:s26] =	ssyncset.done $0x0  }
0x66: {  	s1 =	sadd.s32 $0xCB78, s30;
	s17 =	sadd.s32 $0xCB10, s30;
	[sflag:s26] =	ssyncadd.s32 $0xFFFFE700  }
0x67: {  	[spmem:s2] =	stream.indirect.scatter.add.bf16 [tilespmem:s20], [sflag:$0x7], $0x40, s17, s15, $0xb8;
	[tilespmem:$0x15540] =	vst v63  }
0x68: {  	_ =	swait.ge [sflag:s29], $0x1900  }
0x69: {  	[sflag:s29] =	ssyncset.done $0x0  }
0x6a: {  	s17 =	sadd.s32 $0xA340, s30;
	[sflag:s29] =	ssyncadd.s32 $0xFFFFE700  }
0x6b: {  	[tilespmem:s16], [sflag:$0x1] =	stream.indirect.gather [hbm4b:s4+s15], $0x40, s17, s15, $0xb8;
	[tilespmem:$0x15540] =	vst v63  }
0x6c: {  	_ =	swait.ge [sflag:s31], $0x1900  }
0x6d: {  	[sflag:s31] =	ssyncset.done $0x0  }
0x6e: {  	[sflag:s31] =	ssyncadd.s32 $0xFFFFE700  }
0x6f: {  	[spmem:s2] =	stream.indirect.scatter.add.bf16 [tilespmem:s22], [sflag:$0x8], $0x40, s1, s15, $0xb8;
	[tilespmem:$0x15540] =	vst v63  }
.Ltmp3:
0x70: {  	_ = 	snop;
	(pc) =	sbr.rel .LBB2_2-.Ltmp3, $4  }
0x71: {  	_ =	swait.ge [sflag:s0], $0x1900  }
0x72: {  	[sflag:s0] =	ssyncset.done $0x0  }
0x73: {  	s30 =	sadd.s32 $0xA3A8, s30;
	s28 =	sadd.s32 $0x680, s28;
	[sflag:s0] =	ssyncadd.s32 $0xFFFFE700  }
0x74: {  	[tilespmem:s18], [sflag:$0x2] =	stream.indirect.gather [hbm4b:s4+s15], $0x40, s30, s15, $0xb8;
	[tilespmem:$0x15540] =	vst v63  }
.LBB2_5:
0x75: {  	_ =	sfence.sel $0x180000  }
0x76: {  	[bflag:$0x0] =	sbarrier.arrive $0xFFFF  }
0x77: {  	_ =	strace $0x9000004D  }
0x78: {  	s0 =	stileid.u32;
	[bflag:$0x2] =	sbarrier.arrive $0xFFFF  }
0x79: {  	p0 =	sne.s32 s0, $0x0;
	s0 =	rddreg [dreg:$0x2]  }
0x7a: {  	s0 =	sadd.s32 @!p0 $0x100000, s0  }
0x7b: {  	[sflag:s0] =	ssyncadd.tile.s32 @!p0 $0x1;
	_ =	shalt  }
.Lfunc_end2:
_tile_overlayer_lowered:
.L_overlay_start_2:
0x7c: {  	(tag) =	ssettag $0x2  }
0x7d: {  	s0 =	rddreg [dreg:$0x0];
	s2 =	stileid.u32  }
0x7e: {  	s1 =	rddreg [dreg:$0x1];
	p0 =	sne.s32 s2, $0x0  }
0x7f: {  	s3 =	rddreg [dreg:$0x2];
	[bflag:$0x3] =	sbarrier.arrive $0xFFFF;
	s2 =	simm.s32 @!p0 $0x1C09  }
0x80: {  	[timem:s3], [sflag:s2] =	dma.local @!p0 [hbm:s0], s1  }
0x81: {  	s0 =	simm.s32 @!p0 $0x9  }
0x82: {  	_ =	swait.ge @!p0 [sflag:s0], s1  }
0x83: {  	s1 =	ssub.s32 @!p0 $0x0, s1;
	[sflag:s0] =	ssyncset.done @!p0 $0x0  }
0x84: {  	[sflag:s0] =	ssyncadd.s32 @!p0 s1  }
0x85: {  	[bflag:$0x3] =	sbarrier.arrive $0xFFFF  }
0x86: {  	_ =	shalt  }

// kernel: kernel.8.cloned.1.call-start
scs
__scs_entry_jumppad:
0x0: {  	(pc) =	sbr.rel $0x88, $3  }
0x1: {  	(tag) =	ssettag $0x0;
	lr =	simm.s32 $0x1  }
0x2: {  	[smem:$0x3F99] =	sst lr;
	_ =	strace $0xD0000000  }
0x3: {  	_ = 	snop  }
0x4: {  	_ = 	snop  }
0x5: {  	_ = 	snop  }
0x6: {  	_ = 	snop  }
0x7: {  	_ = 	snop  }
__scs_overlays_trampoline_lowered:
0x8: {  	[smem:$0x3FA8] =	sst s0  }
0x9: {  	[smem:$0x3FA9] =	sst s1  }
0xa: {  	[smem:$0x3FAA] =	sst s2  }
0xb: {  	[smem:$0x3FAB] =	sst s3  }
0xc: {  	[smem:$0x3FAC] =	sst s4  }
0xd: {  	[smem:$0x3FAD] =	sst s5  }
0xe: {  	[smem:$0x3FAE] =	sst s6  }
0xf: {  	[smem:$0x3FAF] =	sst s7  }
0x10: {  	[smem:$0x3FB0] =	sst s8  }
0x11: {  	[smem:$0x3FB1] =	sst s9;
	s0 =	simm.s32 @!p0 $0x0  }
0x12: {  	s1 =	sld [smem:$0x3F97];
	s0 =	simm.s32 @p0 $0x1  }
0x13: {  	[smem:$0x3FB2] =	sst s0;
	s0 =	simm.s32 @!p1 $0x0  }
0x14: {  	s2 =	sld [smem:$0x3F96];
	s0 =	simm.s32 @p1 $0x1  }
0x15: {  	[smem:$0x3FB3] =	sst s0;
	s0 =	simm.s32 @!p2 $0x0  }
0x16: {  	s3 =	sld [smem:$0x3FDB];
	s0 =	simm.s32 @p2 $0x1  }
0x17: {  	s4 =	simm.s32 $0x1BF5;
	[smem:$0x3FB5] =	sst s0  }
0x18: {  	s0 =	sld [smem:$0x3F98];
	_ =	swait.ge [sflag:s4], $0x0  }
0x19: {  	s7 =	sld [smem:$0x3F99]  }
0x1a: {  	s8 =	sadd.s32 $0xFFFFE003, lr  }
0x1b: {  	s9 =	sadd.s32 $0xFFFFFEF7, lr;
	s5 =	simm.s32 $0xFFFFFFFF;
	p2 =	slt.u32 s8, $0xFFFFF086  }
0x1c: {  	p1 =	slt.u32 s9, $0xF7A;
	s5 =	simm.s32 @!p2 $0x0  }
0x1d: {  	s5 =	simm.s32 @p1 $0x1;
	p0 =	seq.s32 s7, s2  }
0x1e: {  	s7 =	smul.u32 @!p0 $0xF7A, s2;
	p2 =	seq.s32 @!p0 s5, $0x0  }
0x1f: {  	s9 =	smul.u32 $0xF7A, s1;
	s8 =	simm.s32 @!p0 $0x1BF5;
	p2 =	por !p2, p0  }
0x20: {  	[sflag:s8] =	ssyncset.s32 @!p0 $0xFFFFF086;
	s6 =	sadd.s32 @!p0 s3, s7;
	s7 =	simm.s32 @!p0 $0x108  }
0x21: {  	s3 =	sadd.s32 s3, s9;
	s6 =	sadd.s32 @!p0 $0x88, s6;
	s7 =	simm.s32 @p2 $0x1082  }
0x22: {  	[simem:s7], [sflag:s8] =	dma.local @!p0 [hbm:s6], $0xF7A  }
0x23: {  	s9 =	sor.u32 $0xD0000000, s2;
	s6 =	simm.s32 $0x108;
	_ =	swait.ge @!p0 [sflag:s8], $0x0  }
0x24: {  	s3 =	sadd.s32 $0x88, s3;
	s6 =	simm.s32 @!p1 $0x1082;
	[sflag:s4] =	ssyncset.s32 $0xFFFFF086  }
0x25: {  	[simem:s6], [sflag:s4] =	dma.local [hbm:s3], $0xF7A  }
0x26: {  	[smem:$0x3F99] =	sst s1;
	(tag) =	ssettag s2;
	_ =	strace s9  }
0x27: {  	s1 =	sld [smem:$0x3FA9]  }
0x28: {  	s2 =	sld [smem:$0x3FAA]  }
0x29: {  	s4 =	sld [smem:$0x3FAC]  }
0x2a: {  	p0 =	seq.s32 s5, $0x0;
	s5 =	sld [smem:$0x3FAD]  }
0x2b: {  	s6 =	sld [smem:$0x3FAE]  }
0x2c: {  	s7 =	sld [smem:$0x3FAF]  }
0x2d: {  	s3 =	simm.s32 $0x108;
	s8 =	sld [smem:$0x3FB0]  }
0x2e: {  	s3 =	simm.s32 @!p0 $0x1082;
	s9 =	sld [smem:$0x3FB1]  }
0x2f: {  	lr =	sadd.s32 s0, s3;
	s0 =	sld [smem:$0x3FA8]  }
0x30: {  	s3 =	sld [smem:$0x3FAB]  }
0x31: {  	[smem:$0x3FB4] =	sst s10  }
0x32: {  	s10 =	sld [smem:$0x3FB2];
	_ =	sdelay $0x3  }
0x33: {  	p0 =	seq.s32 s10, $0x1;
	s10 =	sld [smem:$0x3FB4];
	_ =	sdelay $0x3  }
0x34: {  	[smem:$0x3FB4] =	sst s10  }
0x35: {  	s10 =	sld [smem:$0x3FB3];
	_ =	sdelay $0x3  }
0x36: {  	p1 =	seq.s32 s10, $0x1;
	s10 =	sld [smem:$0x3FB4];
	_ =	sdelay $0x3  }
0x37: {  	[smem:$0x3FB4] =	sst s10  }
0x38: {  	s10 =	sld [smem:$0x3FB5]  }
0x39: {  	_ = 	snop;
	(pc) =	sbr.ind lr, $3  }
0x3a: {  	_ = 	snop  }
0x3b: {  	_ = 	snop  }
0x3c: {  	p2 =	seq.s32 s10, $0x1;
	s10 =	sld [smem:$0x3FB4]  }
0x3d: {  	_ =	shalt  }
0x3e: {  	_ =	shalt  }
0x3f: {  	_ =	shalt  }
0x40: {  	_ =	shalt  }
0x41: {  	_ =	shalt  }
0x42: {  	_ =	shalt  }
0x43: {  	_ =	shalt  }
0x44: {  	_ =	shalt  }
0x45: {  	_ =	shalt  }
0x46: {  	_ =	shalt  }
0x47: {  	_ =	shalt  }
0x48: {  	_ =	shalt  }
0x49: {  	_ =	shalt  }
0x4a: {  	_ =	shalt  }
0x4b: {  	_ =	shalt  }
0x4c: {  	_ =	shalt  }
0x4d: {  	_ =	shalt  }
0x4e: {  	_ =	shalt  }
0x4f: {  	_ =	shalt  }
0x50: {  	_ =	shalt  }
0x51: {  	_ =	shalt  }
0x52: {  	_ =	shalt  }
0x53: {  	_ =	shalt  }
0x54: {  	_ =	shalt  }
0x55: {  	_ =	shalt  }
0x56: {  	_ =	shalt  }
0x57: {  	_ =	shalt  }
0x58: {  	_ =	shalt  }
0x59: {  	_ =	shalt  }
0x5a: {  	_ =	shalt  }
0x5b: {  	_ =	shalt  }
0x5c: {  	_ =	shalt  }
0x5d: {  	_ =	shalt  }
0x5e: {  	_ =	shalt  }
0x5f: {  	_ =	shalt  }
0x60: {  	_ =	shalt  }
0x61: {  	_ =	shalt  }
0x62: {  	_ =	shalt  }
0x63: {  	_ =	shalt  }
0x64: {  	_ =	shalt  }
0x65: {  	_ =	shalt  }
0x66: {  	_ =	shalt  }
0x67: {  	_ =	shalt  }
0x68: {  	_ =	shalt  }
0x69: {  	_ =	shalt  }
0x6a: {  	_ =	shalt  }
0x6b: {  	_ =	shalt  }
0x6c: {  	_ =	shalt  }
0x6d: {  	_ =	shalt  }
0x6e: {  	_ =	shalt  }
0x6f: {  	_ =	shalt  }
0x70: {  	_ =	shalt  }
0x71: {  	_ =	shalt  }
0x72: {  	_ =	shalt  }
0x73: {  	_ =	shalt  }
0x74: {  	_ =	shalt  }
0x75: {  	_ =	shalt  }
0x76: {  	_ =	shalt  }
0x77: {  	_ =	shalt  }
0x78: {  	_ =	shalt  }
0x79: {  	_ =	shalt  }
0x7a: {  	_ =	shalt  }
0x7b: {  	_ =	shalt  }
0x7c: {  	_ =	shalt  }
0x7d: {  	_ =	shalt  }
0x7e: {  	_ =	shalt  }
0x7f: {  	_ =	shalt  }
0x80: {  	_ =	shalt  }
0x81: {  	_ =	shalt  }
0x82: {  	_ =	shalt  }
0x83: {  	_ =	shalt  }
0x84: {  	_ =	shalt  }
0x85: {  	_ =	shalt  }
0x86: {  	_ =	shalt  }
0x87: {  	_ =	shalt  }
.Lfunc_end0:
.L_simem_size_0:
called_computation_lowered:
.L_overlay_start_0:
0x88: {  	s2 =	sld [smem:$0x3FD9]  }
0x89: {  	s3 =	sld [smem:$0x3FFE];
	_ =	sdelay $0x1  }
0x8a: {  	s1 =	srdreg.scid  }
0x8b: {  	s0 =	sand.u32 $0x1, s1  }
0x8c: {  	s16 =	sshll.u32 s0, $0xA;
	s2 =	sadd.s32 s3, s2  }
0x8d: {  	s2 =	sadd.s32 s2, s16  }
0x8e: {  	[smem:$0x3FC0] =	sst s2  }
0x8f: {  	_ = 	snop  }
0x90: {  	(tm) =	ssettm $0x1  }
0x91: {  	s17 =	sld [smem:$0x3FFB];
	_ =	sdelay $0x3  }
0x92: {  	_ =	strace s17  }
0x93: {  	s2 =	sld [smem:$0x3FFC];
	_ =	sdelay $0x3  }
0x94: {  	_ =	strace s2  }
0x95: {  	s2 =	sld [smem:$0x3FFD];
	_ =	sdelay $0x3  }
0x96: {  	_ =	strace s2  }
0x97: {  	_ =	strace $0x8FFFFFFF  }
0x98: {  	s18 =	sld [smem:$0x3FDB];
	_ =	sdelay $0x1  }
0x99: {  	s19 =	simm.s32 $_scs_section_size  }
0x9a: {  	s4 =	simm.s32 $_size__tile_overlayer_lowered;
	s5 =	simm.s32 $_tile_overlayer_lowered  }
0x9b: {  	s22 =	simm.s32 $0x1BFF;
	s21 =	sshll.u32 s5, $0x1;
	s2 =	sadd.s32 s19, s18  }
0x9c: {  	s6 =	simm.s32 $0x0;
	s20 =	sshll.u32 s4, $0x1;
	s4 =	sadd.s32 s21, s2  }
0x9d: {  	[timem:s6], [sflag:s22] =	dma.local [hbm:s4], s20  }
0x9e: {  	_ =	swait.ge [sflag:s22], s20  }
0x9f: {  	s3 =	ssub.s32 $0x0, s20;
	[sflag:s22] =	ssyncset.done $0x0  }
0xa0: {  	[sflag:s22] =	ssyncadd.s32 s3;
	_ =	sdelay $0x1  }
0xa1: {  	s23 =	simm.s32 $0x1B8B  }
0xa2: {  	_ =	swait.ge [sflag:s23], $0x1  }
0xa3: {  	[sflag:s23] =	ssyncset.done $0x0  }
0xa4: {  	s25 =	simm.s32 $0x1B8E;
	s24 =	sld [smem:$0x3FFE];
	[sflag:s23] =	ssyncadd.s32 $0xFFFFFFFF  }
0xa5: {  	s26 =	simm.s32 $execute0_lowered;
	[smem:$0x3FD2] =	sst s25  }
0xa6: {  	s4 =	sshll.u32 s26, $0x1;
	_ =	strace $0x80000046;
	[dreg:$0x1] =	wrdreg $0xFFFFFFFF  }
0xa7: {  	s28 =	simm.s32 $_size_execute0_lowered;
	s2 =	sadd.s32 s2, s4;
	[dreg:$0x0] =	wrdreg $0x0  }
0xa8: {  	s4 =	sshll.u32 s28, $0x1;
	[dreg:$0x2] =	wrdreg s2  }
0xa9: {  	[dreg:$0x3] =	wrdreg s4  }
0xaa: {  	[dreg:$0x4] =	wrdreg $0xC0  }
0xab: {  	_ =	task [dreg:s6], $0x5FFFF  }
0xac: {  	[dreg:$0x1] =	wrdreg $0xFFFFFFFF  }
0xad: {  	[dreg:$0x0] =	wrdreg $0x60  }
0xae: {  	[dreg:$0x2] =	wrdreg s24  }
0xaf: {  	[dreg:$0x3] =	wrdreg $0x29100  }
0xb0: {  	[dreg:$0x4] =	wrdreg $0x9  }
0xb1: {  	_ =	task.clear_ibuf [dreg:s6], $0x5FFFF;
	_ =	strace $0x90000046  }
0xb2: {  	s29 =	simm.s32 $0x9;
	_ =	strace $0x80000048  }
0xb3: {  	_ =	swait.ge [sflag:s29], $0x1  }
0xb4: {  	[sflag:s29] =	ssyncadd.s32 $0xFFFFFFFF  }
0xb5: {  	_ =	strace $0x90000048  }
0xb6: {  	_ =	sfence  }
0xb7: {  	s30 =	sld [smem:$0x0];
	_ =	sdelay $0x2  }
0xb8: {  	s31 =	sshll.u32 s1, $0xD;
	s1 =	sshrl.u32 s1, $0x2  }
0xb9: {  	s3 =	sand.u32 $0x4000, s31;
	s1 =	sadd.s32 s1, s30  }
0xba: {  	s0 =	sor.u32 s3, s0;
	s1 =	sshll.u32 s1, $0x11  }
0xbb: {  	s0 =	sor.u32 s1, s0  }
0xbc: {  	s0 =	sadd.s32 $0x8F2B, s0  }
0xbd: {  	[sflag:s0] =	ssyncadd.remote.s32 $0x1  }
0xbe: {  	_ =	sfence.sel $0xFFFF  }
0xbf: {  	[dreg:$0x0] =	wrdreg $0xFFFFFFFF;
	(pc) =	sbr.abs _section_cstart, $3  }
0xc0: {  	[dreg:$0x1] =	wrdreg $0xFFFFFFFF  }
0xc1: {  	_ =	task.clear_ibuf [dreg:s6], $0x2FFFF;
	_ =	strace $0x9FFFFFFF  }
0xc2: {  	(tm) =	ssettm $0x7FFFFFFF  }
0xc3: {  	_ =	shalt  }
tec
execute0_lowered:
.L_overlay_start_1:
0x0: {  	(tag) =	ssettag $0x1  }
0x1: {  	s5 =	rddreg [dreg:$0x0]  }
0x2: {  	s2 =	rddreg [dreg:$0x1]  }
0x3: {  	s3 =	srdreg.scid;
	s1 =	stileid.u32  }
0x4: {  	s0 =	rddreg [dreg:$0x2];
	s11 =	simm.s32 $0x64;
	s12 =	simm.s32 $0x28A0  }
0x5: {  	s13 =	simm.s32 $0x0;
	s4 =	sand.u32 $0x1, s3;
	s6 =	sshll.u32 s1, $0x1  }
0x6: {  	s3 =	simm.s32 $0x0;
	s8 =	sshll.u32 s1, $0xB;
	p0 =	sgt.u32 s1, $0x4  }
0x7: {  	s6 =	sor.u32 s4, s6;
	s7 =	smul.u32 $0x2800, s4;
	[smem:$0x7FF] =	sst s3  }
0x8: {  	s9 =	ssub.s32 $0x2, s4;
	s4 =	sadd.s32 $0xBC00, s5;
	s6 =	smul.u32 $0x514, s6  }
0x9: {  	_ =	strace $0x80000047;
	s10 =	sshrl.u32 s9, $0x1;
	s7 =	sadd.s32 s8, s7  }
0xa: {  	s9 =	ssub.s32 s9, s10;
	s6 =	sadd.s32 s6, s5;
	s7 =	sshrl.u32 s7, $0x3  }
0xb: {  	s10 =	sadd.s32 s8, s2;
	s7 =	sadd.s32 s7, s5;
	s5 =	sadd.s32 $0x1800, s6  }
0xc: {  	s6 =	sadd.s32 $0xBE00, s7;
	s7 =	smax.u32 s9, $0x1;
	s9 =	sshll.u32 @!p0 s1, $0x6  }
0xd: {  	v0 =	vimm.f32 $1.000000000e+00;
	s8 =	simm.s32 $0x1;
	s10 =	sshrl.u32 @!p0 s10, $0x3;
	s9 =	sor.u32 @!p0 $0x1C01, s9  }
.LBB2_1:
0xe: {  	[tilespmem:$0x28A0] =	vst v0  }
0xf: {  	[tilespmem:$0x28B0] =	vst v0  }
0x10: {  	[tilespmem:$0x28C0] =	vst v0  }
0x11: {  	[tilespmem:$0x28D0] =	vst v0  }
0x12: {  	[tilespmem:$0x28E0] =	vst v0  }
0x13: {  	[tilespmem:$0x28F0] =	vst v0  }
0x14: {  	[tilespmem:$0x2900] =	vst v0  }
0x15: {  	[tilespmem:s3], [sflag:$0x1] =	stream.linear.gather [hbm4b:s5+s3], $0x28A0, $0x38;
	[tilespmem:$0x2B90] =	vst v63  }
0x16: {  	_ =	swait.ge [sflag:s8], $0x28A0  }
0x17: {  	[sflag:s8] =	ssyncset.done $0x0  }
0x18: {  	s14 =	simm.s32 @!p0 $0x1;
	[sflag:s8] =	ssyncadd.s32 $0xFFFFD760  }
0x19: {  	[spmem:s10], [sflag:s9] =	dma.local @!p0 [hbm:s4], $0x100  }
0x1a: {  	_ =	swait.ge @!p0 [sflag:s14], $0x100  }
0x1b: {  	[sflag:s14] =	ssyncset.done @!p0 $0x0  }
0x1c: {  	[sflag:s14] =	ssyncadd.s32 @!p0 $0xFFFFFF00  }
0x1d: {  	s31 =	simm.s32 $0x0;
	[bflag:$0x0] =	sbarrier.arrive $0xFFFF  }
0x1e: {  	[spmem:s2] =	stream.indirect.scatter.add.f32 [tilespmem:s12], [sflag:$0x1], $0x1, s31, s11, $0xb8;
	[tilespmem:$0x2B90] =	vst v63  }
0x1f: {  	_ =	swait.ge [sflag:s8], $0x64  }
0x20: {  	s14 =	simm.s32 $0x1A0;
	[sflag:s8] =	ssyncset.done $0x0  }
.LBB2_2:
0x21: {  	s15 =	sshra.s32 s14, $0x2;
	[sflag:s8] =	ssyncadd.s32 $0xFFFFFF9C;
	p1 =	sne.s32 s14, $0xA0E0  }
0x22: {  	[spmem:s2] =	stream.indirect.scatter.add.f32 [tilespmem:s12], [sflag:$0x1], $0x1, s15, s11, $0xb8;
	[tilespmem:$0x2B90] =	vst v63  }
.Ltmp0:
0x23: {  	_ = 	snop;
	(pc) =	sbr.rel @p1 .LBB2_2-.Ltmp0, $4  }
0x24: {  	_ = 	snop  }
0x25: {  	s14 =	sadd.s32 $0x1A0, s14  }
0x26: {  	_ =	swait.ge [sflag:s8], $0x64  }
0x27: {  	[sflag:s8] =	ssyncset.done $0x0  }
0x28: {  	s13 =	sadd.s32 $0x1, s13  }
0x29: {  	[sflag:s8] =	ssyncadd.s32 $0xFFFFFF9C;
	p1 =	sne.s32 s13, s7  }
.Ltmp1:
0x2a: {  	s14 =	simm.s32 @!p0 $0x1;
	[bflag:$0x0] =	sbarrier.arrive $0xFFFF;
	(pc) =	sbr.rel @p1 .LBB2_1-.Ltmp1, $4  }
0x2b: {  	[hbm:s6], [sflag:s9] =	dma.local @!p0 [spmem:s10], $0x100  }
0x2c: {  	_ =	swait.ge @!p0 [sflag:s14], $0x100  }
0x2d: {  	[sflag:s14] =	ssyncset.done @!p0 $0x0  }
0x2e: {  	[sflag:s14] =	ssyncadd.s32 @!p0 $0xFFFFFF00  }
0x2f: {  	_ =	sfence.sel $0x180000  }
0x30: {  	[bflag:$0x0] =	sbarrier.arrive $0xFFFF  }
0x31: {  	p0 =	sne.s32 s1, $0x0;
	_ =	strace $0x90000047  }
0x32: {  	s0 =	sadd.s32 @!p0 $0x100000, s0;
	[bflag:$0x2] =	sbarrier.arrive $0xFFFF  }
0x33: {  	[sflag:s0] =	ssyncadd.tile.s32 @!p0 $0x1;
	_ =	shalt  }
.Lfunc_end2:
_tile_overlayer_lowered:
.L_overlay_start_2:
0x34: {  	(tag) =	ssettag $0x2  }
0x35: {  	s0 =	rddreg [dreg:$0x0];
	s2 =	stileid.u32  }
0x36: {  	s1 =	rddreg [dreg:$0x1];
	p0 =	sne.s32 s2, $0x0  }
0x37: {  	s3 =	rddreg [dreg:$0x2];
	[bflag:$0x3] =	sbarrier.arrive $0xFFFF;
	s2 =	simm.s32 @!p0 $0x1C01  }
0x38: {  	[timem:s3], [sflag:s2] =	dma.local @!p0 [hbm:s0], s1  }
0x39: {  	s0 =	simm.s32 @!p0 $0x1  }
0x3a: {  	_ =	swait.ge @!p0 [sflag:s0], s1  }
0x3b: {  	s1 =	ssub.s32 @!p0 $0x0, s1;
	[sflag:s0] =	ssyncset.done @!p0 $0x0  }
0x3c: {  	[sflag:s0] =	ssyncadd.s32 @!p0 s1  }
0x3d: {  	[bflag:$0x3] =	sbarrier.arrive $0xFFFF  }
0x3e: {  	_ =	shalt  }

</sc_bundles>
